<compile_context>
chip_gen: v7x
topology: tpu7x:2x2x1
jax: 0.10.2.dev20260603
libtpu: 0.0.44.dev20260713+nightly
codegen_flags: <defaults>
</compile_context>

<pallas_src>
import functools

import jax
import jax.numpy as jnp
from jax import lax
from jax.experimental import pallas as pl
from jax.experimental.pallas import tpu as pltpu
from jax.experimental.pallas import tpu_sc as plsc

B, P, D = 16, 4096, 128
INTER, POOL, OUT = 64, 64, 32
K = 16
GB = 2
NSEG = B * K
W = 65
NW = 32
RPW = (B * P) // NW
CH = 256
SUB = 128

_SLOPE = 0.01


def _leaky(v):
    return jnp.maximum(v, _SLOPE * v)


def _front_body(x_ref, w1, b1, w2, b2, cen, assign_ref, keys_ref, xc_ref):
    g = pl.program_id(0)
    c = cen[...]
    cn = jnp.sum(c * c, axis=1, keepdims=True)

    PP = GB * P
    xb = x_ref[...].reshape(PP, D)
    h = _leaky(jnp.dot(xb, w1[...], preferred_element_type=jnp.float32) + b1[...])
    xc = jnp.dot(h, w2[...], preferred_element_type=jnp.float32) + b2[...]
    cross2 = lax.dot_general(-2.0 * c, xc, (((1,), (1,)), ((), ())),
                             preferred_element_type=jnp.float32)
    score = cn + cross2
    best = jnp.min(score, axis=0, keepdims=True)
    ii = lax.broadcasted_iota(jnp.int32, (K, PP), 0)
    a2d = jnp.min(jnp.where(score == best, ii, K), axis=0, keepdims=True)

    xc_ref[:, :INTER] = xc
    xc_ref[:, INTER:INTER + 1] = jnp.ones((PP, 1), jnp.float32)
    for bi in range(GB):
        sl = a2d[:, bi * P:(bi + 1) * P]
        assign_ref[bi] = sl
        keys_ref[bi] = sl + (g * GB + bi) * K


def _tc_front(x, W1, b1, W2, b2, centroids):
    full = lambda shape: pl.BlockSpec(shape, lambda b: (0,) * len(shape))
    return pl.pallas_call(
        _front_body,
        grid=(B // GB,),
        in_specs=[
            pl.BlockSpec((GB, P, D), lambda b: (b, 0, 0)),
            full((D, 64)), full((1, 64)),
            full((64, INTER)), full((1, INTER)),
            full((K, INTER)),
        ],
        out_specs=[
            pl.BlockSpec((GB, 1, P), lambda b: (b, 0, 0)),
            pl.BlockSpec((GB, 1, P), lambda b: (b, 0, 0)),
            pl.BlockSpec((GB * P, W), lambda b: (b, 0)),
        ],
        out_shape=[
            jax.ShapeDtypeStruct((B, 1, P), jnp.int32),
            jax.ShapeDtypeStruct((B, 1, P), jnp.int32),
            jax.ShapeDtypeStruct((B * P, W), jnp.float32),
        ],
    )(x, W1, b1.reshape(1, -1), W2, b2.reshape(1, -1), centroids)


@functools.partial(
    pl.kernel,
    mesh=plsc.VectorSubcoreMesh(core_axis_name="c", subcore_axis_name="s"),
    out_type=jax.ShapeDtypeStruct((2, NSEG, W), jnp.float32),
    scratch_types=[
        pltpu.VMEM((CH, W), jnp.float32),
        pltpu.VMEM((CH, W), jnp.float32),
        pltpu.VMEM((RPW // SUB, SUB), jnp.int32),
        pltpu.VMEM_SHARED((NSEG, W), jnp.float32),
        pltpu.SemaphoreType.DMA,
        pltpu.SemaphoreType.DMA,
    ],
)
def _sc_seg(xc_hbm, keys_hbm, zero_hbm, sums_out,
            rows_a, rows_b, keys_v, acc_s, sem_r, sem_s):
    cid = lax.axis_index("c")
    sid = lax.axis_index("s")
    wid = sid * 2 + cid
    base = wid * RPW
    bufs = (rows_a, rows_b)
    nchk = RPW // CH
    subc = CH // SUB

    @pl.when(sid == 0)
    def _init():
        pltpu.sync_copy(zero_hbm, acc_s)

    pltpu.sync_copy(keys_hbm.at[pl.ds(wid * (RPW // SUB), RPW // SUB), :], keys_v)
    plsc.subcore_barrier()

    pltpu.sync_copy(xc_hbm.at[pl.ds(base, CH), :], bufs[0])
    reads = [None, None]
    pend = [[], []]
    for t in range(nchk):
        cur, nxt = t % 2, (t + 1) % 2
        for h in pend[nxt]:
            h.wait()
        pend[nxt] = []
        if t + 1 < nchk:
            reads[nxt] = pltpu.async_copy(
                xc_hbm.at[pl.ds(base + (t + 1) * CH, CH), :], bufs[nxt], sem_r)
        if t > 0:
            reads[cur].wait()
        for j in range(subc):
            jj = t * subc + j
            pend[cur].append(pltpu.async_copy(
                bufs[cur].at[pl.ds(j * SUB, SUB), :],
                acc_s.at[keys_v.at[jj]], sem_s, add=True))
    for side in pend:
        for h in side:
            h.wait()
    plsc.subcore_barrier()

    @pl.when(sid == 0)
    def _flush():
        pltpu.sync_copy(acc_s, sums_out.at[cid])


def _tail_body(sp_ref, w3, b3, w4, b4, w5, b5, w6, b6, y_ref):
    part = sp_ref[0] + sp_ref[1]
    sums = part[:, :INTER]
    cnt = part[:, INTER:INTER + 1]
    mean = sums / cnt
    h2 = _leaky(jnp.dot(mean, w3[...], preferred_element_type=jnp.float32) + b3[...])
    xsp = jnp.dot(h2, w4[...], preferred_element_type=jnp.float32) + b4[...]
    xsp = jnp.where(cnt > 0, xsp, 0.0)
    ohb = (lax.broadcasted_iota(jnp.int32, (B, NSEG), 1) // K
           == lax.broadcasted_iota(jnp.int32, (B, NSEG), 0)).astype(jnp.float32)
    p = jnp.dot(ohb, xsp, preferred_element_type=jnp.float32)
    t = _leaky(jnp.dot(p, w5[...], preferred_element_type=jnp.float32) + b5[...])
    logits = jnp.dot(t, w6[...], preferred_element_type=jnp.float32) + b6[...]
    m = jnp.max(logits, axis=-1, keepdims=True)
    lse = jnp.log(jnp.sum(jnp.exp(logits - m), axis=-1, keepdims=True)) + m
    y_ref[...] = logits - lse


def _tc_tail(sums_part, W3, b3, W4, b4, W5, b5, W6, b6):
    return pl.pallas_call(
        _tail_body,
        out_shape=jax.ShapeDtypeStruct((B, OUT), jnp.float32),
    )(sums_part, W3, b3.reshape(1, -1), W4, b4.reshape(1, -1),
      W5, b5.reshape(1, -1), W6, b6.reshape(1, -1))


def kernel(x, W1, b1, W2, b2, W3, b3, W4, b4, W5, b5, W6, b6, centroids):
    assign, keys, xc_flat = _tc_front(x, W1, b1, W2, b2, centroids)
    keys2d = keys.reshape((B * P) // SUB, SUB)
    sums_part = _sc_seg(xc_flat, keys2d, jnp.zeros((NSEG, W), jnp.float32))
    y_pred = _tc_tail(sums_part, W3, b3, W4, b4, W5, b5, W6, b6)
    return (y_pred, assign.reshape(B * P))

# --- scband reference (transcript-rebuilt; emitter-appended) ---
"""Pipeline reference for scband-cluster-module-6399501271221 (READ-ONLY COPY).

The authoritative reference and input builder live on the scoring server;
editing this copy changes nothing except your own understanding.
"""

import jax, jax.numpy as jnp
import numpy as np

B, P, D = 16, 4096, 128
INTER, POOL, OUT = 64, 64, 32
K = 16


def setup_inputs(seed: int = 0) -> dict:
    key = jax.random.key(seed)
    ks = jax.random.split(key, 16)
    s = lambda k, sh: (jax.random.normal(k, sh, dtype=jnp.float32) * 0.05)
    return dict(
        x=jax.random.normal(ks[0], (B, P, D), dtype=jnp.float32),
        W1=s(ks[1], (D, 64)), b1=jnp.zeros((64,), jnp.float32),
        W2=s(ks[2], (64, INTER)), b2=jnp.zeros((INTER,), jnp.float32),
        W3=s(ks[3], (INTER, 64)), b3=jnp.zeros((64,), jnp.float32),
        W4=s(ks[4], (64, POOL)), b4=jnp.zeros((POOL,), jnp.float32),
        W5=s(ks[5], (POOL, 64)), b5=jnp.zeros((64,), jnp.float32),
        W6=s(ks[6], (64, OUT)), b6=jnp.zeros((OUT,), jnp.float32),
        centroids=jax.random.normal(ks[7], (K, INTER), dtype=jnp.float32),
    )


def reference(x, W1, b1, W2, b2, W3, b3, W4, b4, W5, b5, W6, b6, centroids):
    batch_size, num_points, _ = x.shape
    # first_part MLP: Linear -> LeakyReLU -> Linear
    h = jax.nn.leaky_relu(x @ W1 + b1)
    x_coords = h @ W2 + b2  # [B, P, INTER]
    # hard_fn: flatten, cluster (nearest-centroid predict), per-sample relabel, segment mean
    flat = x_coords.reshape(batch_size * num_points, -1)
    batch = jnp.repeat(jnp.arange(batch_size), num_points)
    d2 = jnp.sum(flat ** 2, axis=1, keepdims=True) - 2.0 * flat @ centroids.T + jnp.sum(centroids ** 2, axis=1)
    assignments = jnp.argmin(d2, axis=1)
    keys = assignments + batch * batch_size
    num_clusters = centroids.shape[0]
    nseg = (batch_size - 1) * batch_size + num_clusters
    sums = jax.ops.segment_sum(flat, keys, num_segments=nseg)
    cnt = jax.ops.segment_sum(jnp.ones((batch_size * num_points,), jnp.float32), keys, num_segments=nseg)
    x_clustered = sums / cnt[:, None]  # scatter mean
    batch_seg = jax.ops.segment_min(batch, keys, num_segments=nseg)  # scatter min
    batch_seg = jnp.where(cnt > 0, batch_seg, 0)
    # postprocess: second_part MLP then per-batch segment sum
    h2 = jax.nn.leaky_relu(x_clustered @ W3 + b3)
    x_sp = h2 @ W4 + b4
    x_sp = jnp.where(cnt[:, None] > 0, x_sp, 0.0)
    x_pooled = jax.ops.segment_sum(x_sp, batch_seg, num_segments=batch_size)
    # third_part MLP + log_softmax
    logits = jax.nn.leaky_relu(x_pooled @ W5 + b5) @ W6 + b6
    y_pred = jax.nn.log_softmax(logits, axis=-1)
    return (y_pred, assignments)

if __name__ == "__main__":
    import jax
    _d = setup_inputs()
    print(jax.jit(kernel)(*tuple(_d.values())))

</pallas_src>

<mosaic_0001>
#map = affine_map<(d0, d1) -> (0, 0)>
#map1 = affine_map<(d0, d1) -> (0, 0, 0)>
module attributes {stable_mosaic.version = 14 : i64} {
  func.func @_sc_seg(%arg0: i32, %arg1: i32, %arg2: memref<65536x65xf32, #tpu.memory_space<hbm>>, %arg3: memref<512x128xi32, #tpu.memory_space<hbm>>, %arg4: memref<256x65xf32, #tpu.memory_space<hbm>>, %arg5: memref<2x256x65xf32, #tpu.memory_space<hbm>>, %arg6: memref<256x65xf32, #tpu.memory_space<vmem>>, %arg7: memref<256x65xf32, #tpu.memory_space<vmem>>, %arg8: memref<16x128xi32, #tpu.memory_space<vmem>>, %arg9: memref<256x65xf32, #tpu.memory_space<vmem_shared>>, %arg10: memref<!tpu.dma_semaphore, #tpu.memory_space<semaphore_mem>>, %arg11: memref<!tpu.dma_semaphore, #tpu.memory_space<semaphore_mem>>) attributes {dimension_semantics = [#tpu.dimension_semantics<core_parallel>, #tpu.dimension_semantics<subcore_parallel>], iteration_bounds = array<i64: 2, 16>, scalar_prefetch = 0 : i64, scratch_operands = 6 : i64, tpu.core_type = #tpu.core_type<sc_vector_subcore>, window_params = [{transform_indices = #map}, {transform_indices = #map}, {transform_indices = #map}, {transform_indices = #map1}]} {
    %mul3A = arith.constant 2 : i32
    %mul3A_0 = arith.muli %arg1, %mul3A : i32
    %add3A = arith.addi %mul3A_0, %arg0 : i32
    %mul3A_1 = arith.constant 2048 : i32
    %mul3A_2 = arith.muli %add3A, %mul3A_1 : i32
    %eq3A = arith.constant 0 : i32
    %eq3A_3 = arith.cmpi eq, %arg1, %eq3A : i32
    %convert_element_type3A = arith.extui %eq3A_3 : i1 to i32
    %cond3A = arith.constant 0 : i32
    %cond3A_4 = arith.cmpi ne, %convert_element_type3A, %cond3A : i32
    scf.if %cond3A_4 {
      "tpu.region"() ({
        %run_scoped3A = tpu.sem_alloc : memref<!tpu.dma_semaphore, #tpu.memory_space<semaphore_mem>>
        tpu.enqueue_dma source(%arg4 : memref<256x65xf32, #tpu.memory_space<hbm>>) target(%arg9 : memref<256x65xf32, #tpu.memory_space<vmem_shared>>) target_semaphore(%run_scoped3A : memref<!tpu.dma_semaphore, #tpu.memory_space<semaphore_mem>>)
        tpu.wait_dma2 semaphore(%run_scoped3A : memref<!tpu.dma_semaphore, #tpu.memory_space<semaphore_mem>>) src(%arg4 : memref<256x65xf32, #tpu.memory_space<hbm>>) dst(%arg9 : memref<256x65xf32, #tpu.memory_space<vmem_shared>>)
        tpu.yield
      }) : () -> ()
    } else {
    }
    %mul3A_5 = arith.constant 16 : i32
    %mul3A_6 = arith.muli %add3A, %mul3A_5 : i32
    "tpu.region"() ({
      %run_scoped3A = tpu.sem_alloc : memref<!tpu.dma_semaphore, #tpu.memory_space<semaphore_mem>>
      %dma_start3A_401 = arith.constant 0 : i32
      %dma_start3A_402 = tpu.memref_slice %arg3[%mul3A_6, %dma_start3A_401] : memref<512x128xi32, #tpu.memory_space<hbm>> -> memref<16x128xi32, #tpu.memory_space<hbm>>
      %dma_start3A_403 = arith.constant 0 : i32
      %dma_start3A_404 = tpu.memref_slice %arg3[%mul3A_6, %dma_start3A_403] : memref<512x128xi32, #tpu.memory_space<hbm>> -> memref<16x128xi32, #tpu.memory_space<hbm>>
      tpu.enqueue_dma source(%dma_start3A_404 : memref<16x128xi32, #tpu.memory_space<hbm>>) target(%arg8 : memref<16x128xi32, #tpu.memory_space<vmem>>) target_semaphore(%run_scoped3A : memref<!tpu.dma_semaphore, #tpu.memory_space<semaphore_mem>>)
      %dma_wait3A_405 = arith.constant 0 : i32
      %dma_wait3A_406 = tpu.memref_slice %arg3[%mul3A_6, %dma_wait3A_405] : memref<512x128xi32, #tpu.memory_space<hbm>> -> memref<16x128xi32, #tpu.memory_space<hbm>>
      %dma_wait3A_407 = arith.constant 0 : i32
      %dma_wait3A_408 = tpu.memref_slice %arg3[%mul3A_6, %dma_wait3A_407] : memref<512x128xi32, #tpu.memory_space<hbm>> -> memref<16x128xi32, #tpu.memory_space<hbm>>
      tpu.wait_dma2 semaphore(%run_scoped3A : memref<!tpu.dma_semaphore, #tpu.memory_space<semaphore_mem>>) src(%dma_wait3A_408 : memref<16x128xi32, #tpu.memory_space<hbm>>) dst(%arg8 : memref<16x128xi32, #tpu.memory_space<vmem>>)
      tpu.yield
    }) : () -> ()
    %barrier3A = arith.constant 0 : index
    tpu.barrier barrier_id(%barrier3A)
    "tpu.region"() ({
      %run_scoped3A = tpu.sem_alloc : memref<!tpu.dma_semaphore, #tpu.memory_space<semaphore_mem>>
      %dma_start3A_401 = arith.constant 0 : i32
      %dma_start3A_402 = tpu.memref_slice %arg2[%mul3A_2, %dma_start3A_401] : memref<65536x65xf32, #tpu.memory_space<hbm>> -> memref<256x65xf32, #tpu.memory_space<hbm>>
      %dma_start3A_403 = arith.constant 0 : i32
      %dma_start3A_404 = tpu.memref_slice %arg2[%mul3A_2, %dma_start3A_403] : memref<65536x65xf32, #tpu.memory_space<hbm>> -> memref<256x65xf32, #tpu.memory_space<hbm>>
      tpu.enqueue_dma source(%dma_start3A_404 : memref<256x65xf32, #tpu.memory_space<hbm>>) target(%arg6 : memref<256x65xf32, #tpu.memory_space<vmem>>) target_semaphore(%run_scoped3A : memref<!tpu.dma_semaphore, #tpu.memory_space<semaphore_mem>>)
      %dma_wait3A_405 = arith.constant 0 : i32
      %dma_wait3A_406 = tpu.memref_slice %arg2[%mul3A_2, %dma_wait3A_405] : memref<65536x65xf32, #tpu.memory_space<hbm>> -> memref<256x65xf32, #tpu.memory_space<hbm>>
      %dma_wait3A_407 = arith.constant 0 : i32
      %dma_wait3A_408 = tpu.memref_slice %arg2[%mul3A_2, %dma_wait3A_407] : memref<65536x65xf32, #tpu.memory_space<hbm>> -> memref<256x65xf32, #tpu.memory_space<hbm>>
      tpu.wait_dma2 semaphore(%run_scoped3A : memref<!tpu.dma_semaphore, #tpu.memory_space<semaphore_mem>>) src(%dma_wait3A_408 : memref<256x65xf32, #tpu.memory_space<hbm>>) dst(%arg6 : memref<256x65xf32, #tpu.memory_space<vmem>>)
      tpu.yield
    }) : () -> ()
    %add3A_7 = arith.constant 256 : i32
    %add3A_8 = arith.addi %mul3A_2, %add3A_7 : i32
    %dma_start3A = arith.constant 0 : i32
    %dma_start3A_9 = tpu.memref_slice %arg2[%add3A_8, %dma_start3A] : memref<65536x65xf32, #tpu.memory_space<hbm>> -> memref<256x65xf32, #tpu.memory_space<hbm>>
    %dma_start3A_10 = arith.constant 0 : i32
    %dma_start3A_11 = tpu.memref_slice %arg2[%add3A_8, %dma_start3A_10] : memref<65536x65xf32, #tpu.memory_space<hbm>> -> memref<256x65xf32, #tpu.memory_space<hbm>>
    tpu.enqueue_dma source(%dma_start3A_11 : memref<256x65xf32, #tpu.memory_space<hbm>>) target(%arg7 : memref<256x65xf32, #tpu.memory_space<vmem>>) target_semaphore(%arg10 : memref<!tpu.dma_semaphore, #tpu.memory_space<semaphore_mem>>)
    %dma_start3A_12 = arith.constant 0 : i32
    %dma_start3A_13 = arith.constant 0 : i32
    %dma_start3A_14 = arith.constant 0 : i32
    %dma_start3A_15 = tpu.memref_slice %arg6[%dma_start3A_13, %dma_start3A_14] : memref<256x65xf32, #tpu.memory_space<vmem>> -> memref<128x65xf32, #tpu.memory_space<vmem>>
    %dma_start3A_16 = arith.constant 0 : i32
    %dma_start3A_17 = tpu.memref_slice %arg8[%dma_start3A_12, %dma_start3A_16] : memref<16x128xi32, #tpu.memory_space<vmem>> -> memref<1x128xi32, #tpu.memory_space<vmem>>
    %dma_start3A_18 = tpu.memref_squeeze %dma_start3A_17 : memref<1x128xi32, #tpu.memory_space<vmem>> -> memref<128xi32, #tpu.memory_space<vmem>>
    %dma_start3A_19 = arith.constant 0 : i32
    %dma_start3A_20 = arith.constant 0 : i32
    %dma_start3A_21 = tpu.memref_slice %arg9[%dma_start3A_19, %dma_start3A_20] : memref<256x65xf32, #tpu.memory_space<vmem_shared>> -> memref<256x65xf32, #tpu.memory_space<vmem_shared>>
    tpu.enqueue_indirect_dma source(%dma_start3A_15 : memref<128x65xf32, #tpu.memory_space<vmem>>) target(%dma_start3A_21 : memref<256x65xf32, #tpu.memory_space<vmem_shared>>) offsets(%dma_start3A_18 : memref<128xi32, #tpu.memory_space<vmem>>) semaphore(%arg11 : memref<!tpu.dma_semaphore, #tpu.memory_space<semaphore_mem>>) {add = true}
    %dma_start3A_22 = arith.constant 1 : i32
    %dma_start3A_23 = arith.constant 128 : i32
    %dma_start3A_24 = arith.constant 0 : i32
    %dma_start3A_25 = tpu.memref_slice %arg6[%dma_start3A_23, %dma_start3A_24] : memref<256x65xf32, #tpu.memory_space<vmem>> -> memref<128x65xf32, #tpu.memory_space<vmem>>
    %dma_start3A_26 = arith.constant 0 : i32
    %dma_start3A_27 = tpu.memref_slice %arg8[%dma_start3A_22, %dma_start3A_26] : memref<16x128xi32, #tpu.memory_space<vmem>> -> memref<1x128xi32, #tpu.memory_space<vmem>>
    %dma_start3A_28 = tpu.memref_squeeze %dma_start3A_27 : memref<1x128xi32, #tpu.memory_space<vmem>> -> memref<128xi32, #tpu.memory_space<vmem>>
    %dma_start3A_29 = arith.constant 0 : i32
    %dma_start3A_30 = arith.constant 0 : i32
    %dma_start3A_31 = tpu.memref_slice %arg9[%dma_start3A_29, %dma_start3A_30] : memref<256x65xf32, #tpu.memory_space<vmem_shared>> -> memref<256x65xf32, #tpu.memory_space<vmem_shared>>
    tpu.enqueue_indirect_dma source(%dma_start3A_25 : memref<128x65xf32, #tpu.memory_space<vmem>>) target(%dma_start3A_31 : memref<256x65xf32, #tpu.memory_space<vmem_shared>>) offsets(%dma_start3A_28 : memref<128xi32, #tpu.memory_space<vmem>>) semaphore(%arg11 : memref<!tpu.dma_semaphore, #tpu.memory_space<semaphore_mem>>) {add = true}
    %dma_wait3A = arith.constant 0 : i32
    %dma_wait3A_32 = arith.constant 0 : i32
    %dma_wait3A_33 = arith.constant 0 : i32
    %dma_wait3A_34 = tpu.memref_slice %arg6[%dma_wait3A_32, %dma_wait3A_33] : memref<256x65xf32, #tpu.memory_space<vmem>> -> memref<128x65xf32, #tpu.memory_space<vmem>>
    %dma_wait3A_35 = arith.constant 0 : i32
    %dma_wait3A_36 = tpu.memref_slice %arg8[%dma_wait3A, %dma_wait3A_35] : memref<16x128xi32, #tpu.memory_space<vmem>> -> memref<1x128xi32, #tpu.memory_space<vmem>>
    %dma_wait3A_37 = tpu.memref_squeeze %dma_wait3A_36 : memref<1x128xi32, #tpu.memory_space<vmem>> -> memref<128xi32, #tpu.memory_space<vmem>>
    %dma_wait3A_38 = arith.constant 0 : i32
    %dma_wait3A_39 = arith.constant 0 : i32
    %dma_wait3A_40 = tpu.memref_slice %arg9[%dma_wait3A_38, %dma_wait3A_39] : memref<256x65xf32, #tpu.memory_space<vmem_shared>> -> memref<256x65xf32, #tpu.memory_space<vmem_shared>>
    tpu.wait_indirect_dma semaphore(%arg11 : memref<!tpu.dma_semaphore, #tpu.memory_space<semaphore_mem>>) src(%dma_wait3A_34 : memref<128x65xf32, #tpu.memory_space<vmem>>) dst(%dma_wait3A_40 : memref<256x65xf32, #tpu.memory_space<vmem_shared>>)
    %dma_wait3A_41 = arith.constant 1 : i32
    %dma_wait3A_42 = arith.constant 128 : i32
    %dma_wait3A_43 = arith.constant 0 : i32
    %dma_wait3A_44 = tpu.memref_slice %arg6[%dma_wait3A_42, %dma_wait3A_43] : memref<256x65xf32, #tpu.memory_space<vmem>> -> memref<128x65xf32, #tpu.memory_space<vmem>>
    %dma_wait3A_45 = arith.constant 0 : i32
    %dma_wait3A_46 = tpu.memref_slice %arg8[%dma_wait3A_41, %dma_wait3A_45] : memref<16x128xi32, #tpu.memory_space<vmem>> -> memref<1x128xi32, #tpu.memory_space<vmem>>
    %dma_wait3A_47 = tpu.memref_squeeze %dma_wait3A_46 : memref<1x128xi32, #tpu.memory_space<vmem>> -> memref<128xi32, #tpu.memory_space<vmem>>
    %dma_wait3A_48 = arith.constant 0 : i32
    %dma_wait3A_49 = arith.constant 0 : i32
    %dma_wait3A_50 = tpu.memref_slice %arg9[%dma_wait3A_48, %dma_wait3A_49] : memref<256x65xf32, #tpu.memory_space<vmem_shared>> -> memref<256x65xf32, #tpu.memory_space<vmem_shared>>
    tpu.wait_indirect_dma semaphore(%arg11 : memref<!tpu.dma_semaphore, #tpu.memory_space<semaphore_mem>>) src(%dma_wait3A_44 : memref<128x65xf32, #tpu.memory_space<vmem>>) dst(%dma_wait3A_50 : memref<256x65xf32, #tpu.memory_space<vmem_shared>>)
    %add3A_51 = arith.constant 512 : i32
    %add3A_52 = arith.addi %mul3A_2, %add3A_51 : i32
    %dma_start3A_53 = arith.constant 0 : i32
    %dma_start3A_54 = tpu.memref_slice %arg2[%add3A_52, %dma_start3A_53] : memref<65536x65xf32, #tpu.memory_space<hbm>> -> memref<256x65xf32, #tpu.memory_space<hbm>>
    %dma_start3A_55 = arith.constant 0 : i32
    %dma_start3A_56 = tpu.memref_slice %arg2[%add3A_52, %dma_start3A_55] : memref<65536x65xf32, #tpu.memory_space<hbm>> -> memref<256x65xf32, #tpu.memory_space<hbm>>
    tpu.enqueue_dma source(%dma_start3A_56 : memref<256x65xf32, #tpu.memory_space<hbm>>) target(%arg6 : memref<256x65xf32, #tpu.memory_space<vmem>>) target_semaphore(%arg10 : memref<!tpu.dma_semaphore, #tpu.memory_space<semaphore_mem>>)
    %dma_wait3A_57 = arith.constant 0 : i32
    %dma_wait3A_58 = tpu.memref_slice %arg2[%add3A_8, %dma_wait3A_57] : memref<65536x65xf32, #tpu.memory_space<hbm>> -> memref<256x65xf32, #tpu.memory_space<hbm>>
    %dma_wait3A_59 = arith.constant 0 : i32
    %dma_wait3A_60 = tpu.memref_slice %arg2[%add3A_8, %dma_wait3A_59] : memref<65536x65xf32, #tpu.memory_space<hbm>> -> memref<256x65xf32, #tpu.memory_space<hbm>>
    tpu.wait_dma2 semaphore(%arg10 : memref<!tpu.dma_semaphore, #tpu.memory_space<semaphore_mem>>) src(%dma_wait3A_60 : memref<256x65xf32, #tpu.memory_space<hbm>>) dst(%arg7 : memref<256x65xf32, #tpu.memory_space<vmem>>)
    %dma_start3A_61 = arith.constant 2 : i32
    %dma_start3A_62 = arith.constant 0 : i32
    %dma_start3A_63 = arith.constant 0 : i32
    %dma_start3A_64 = tpu.memref_slice %arg7[%dma_start3A_62, %dma_start3A_63] : memref<256x65xf32, #tpu.memory_space<vmem>> -> memref<128x65xf32, #tpu.memory_space<vmem>>
    %dma_start3A_65 = arith.constant 0 : i32
    %dma_start3A_66 = tpu.memref_slice %arg8[%dma_start3A_61, %dma_start3A_65] : memref<16x128xi32, #tpu.memory_space<vmem>> -> memref<1x128xi32, #tpu.memory_space<vmem>>
    %dma_start3A_67 = tpu.memref_squeeze %dma_start3A_66 : memref<1x128xi32, #tpu.memory_space<vmem>> -> memref<128xi32, #tpu.memory_space<vmem>>
    %dma_start3A_68 = arith.constant 0 : i32
    %dma_start3A_69 = arith.constant 0 : i32
    %dma_start3A_70 = tpu.memref_slice %arg9[%dma_start3A_68, %dma_start3A_69] : memref<256x65xf32, #tpu.memory_space<vmem_shared>> -> memref<256x65xf32, #tpu.memory_space<vmem_shared>>
    tpu.enqueue_indirect_dma source(%dma_start3A_64 : memref<128x65xf32, #tpu.memory_space<vmem>>) target(%dma_start3A_70 : memref<256x65xf32, #tpu.memory_space<vmem_shared>>) offsets(%dma_start3A_67 : memref<128xi32, #tpu.memory_space<vmem>>) semaphore(%arg11 : memref<!tpu.dma_semaphore, #tpu.memory_space<semaphore_mem>>) {add = true}
    %dma_start3A_71 = arith.constant 3 : i32
    %dma_start3A_72 = arith.constant 128 : i32
    %dma_start3A_73 = arith.constant 0 : i32
    %dma_start3A_74 = tpu.memref_slice %arg7[%dma_start3A_72, %dma_start3A_73] : memref<256x65xf32, #tpu.memory_space<vmem>> -> memref<128x65xf32, #tpu.memory_space<vmem>>
    %dma_start3A_75 = arith.constant 0 : i32
    %dma_start3A_76 = tpu.memref_slice %arg8[%dma_start3A_71, %dma_start3A_75] : memref<16x128xi32, #tpu.memory_space<vmem>> -> memref<1x128xi32, #tpu.memory_space<vmem>>
    %dma_start3A_77 = tpu.memref_squeeze %dma_start3A_76 : memref<1x128xi32, #tpu.memory_space<vmem>> -> memref<128xi32, #tpu.memory_space<vmem>>
    %dma_start3A_78 = arith.constant 0 : i32
    %dma_start3A_79 = arith.constant 0 : i32
    %dma_start3A_80 = tpu.memref_slice %arg9[%dma_start3A_78, %dma_start3A_79] : memref<256x65xf32, #tpu.memory_space<vmem_shared>> -> memref<256x65xf32, #tpu.memory_space<vmem_shared>>
    tpu.enqueue_indirect_dma source(%dma_start3A_74 : memref<128x65xf32, #tpu.memory_space<vmem>>) target(%dma_start3A_80 : memref<256x65xf32, #tpu.memory_space<vmem_shared>>) offsets(%dma_start3A_77 : memref<128xi32, #tpu.memory_space<vmem>>) semaphore(%arg11 : memref<!tpu.dma_semaphore, #tpu.memory_space<semaphore_mem>>) {add = true}
    %dma_wait3A_81 = arith.constant 2 : i32
    %dma_wait3A_82 = arith.constant 0 : i32
    %dma_wait3A_83 = arith.constant 0 : i32
    %dma_wait3A_84 = tpu.memref_slice %arg7[%dma_wait3A_82, %dma_wait3A_83] : memref<256x65xf32, #tpu.memory_space<vmem>> -> memref<128x65xf32, #tpu.memory_space<vmem>>
    %dma_wait3A_85 = arith.constant 0 : i32
    %dma_wait3A_86 = tpu.memref_slice %arg8[%dma_wait3A_81, %dma_wait3A_85] : memref<16x128xi32, #tpu.memory_space<vmem>> -> memref<1x128xi32, #tpu.memory_space<vmem>>
    %dma_wait3A_87 = tpu.memref_squeeze %dma_wait3A_86 : memref<1x128xi32, #tpu.memory_space<vmem>> -> memref<128xi32, #tpu.memory_space<vmem>>
    %dma_wait3A_88 = arith.constant 0 : i32
    %dma_wait3A_89 = arith.constant 0 : i32
    %dma_wait3A_90 = tpu.memref_slice %arg9[%dma_wait3A_88, %dma_wait3A_89] : memref<256x65xf32, #tpu.memory_space<vmem_shared>> -> memref<256x65xf32, #tpu.memory_space<vmem_shared>>
    tpu.wait_indirect_dma semaphore(%arg11 : memref<!tpu.dma_semaphore, #tpu.memory_space<semaphore_mem>>) src(%dma_wait3A_84 : memref<128x65xf32, #tpu.memory_space<vmem>>) dst(%dma_wait3A_90 : memref<256x65xf32, #tpu.memory_space<vmem_shared>>)
    %dma_wait3A_91 = arith.constant 3 : i32
    %dma_wait3A_92 = arith.constant 128 : i32
    %dma_wait3A_93 = arith.constant 0 : i32
    %dma_wait3A_94 = tpu.memref_slice %arg7[%dma_wait3A_92, %dma_wait3A_93] : memref<256x65xf32, #tpu.memory_space<vmem>> -> memref<128x65xf32, #tpu.memory_space<vmem>>
    %dma_wait3A_95 = arith.constant 0 : i32
    %dma_wait3A_96 = tpu.memref_slice %arg8[%dma_wait3A_91, %dma_wait3A_95] : memref<16x128xi32, #tpu.memory_space<vmem>> -> memref<1x128xi32, #tpu.memory_space<vmem>>
    %dma_wait3A_97 = tpu.memref_squeeze %dma_wait3A_96 : memref<1x128xi32, #tpu.memory_space<vmem>> -> memref<128xi32, #tpu.memory_space<vmem>>
    %dma_wait3A_98 = arith.constant 0 : i32
    %dma_wait3A_99 = arith.constant 0 : i32
    %dma_wait3A_100 = tpu.memref_slice %arg9[%dma_wait3A_98, %dma_wait3A_99] : memref<256x65xf32, #tpu.memory_space<vmem_shared>> -> memref<256x65xf32, #tpu.memory_space<vmem_shared>>
    tpu.wait_indirect_dma semaphore(%arg11 : memref<!tpu.dma_semaphore, #tpu.memory_space<semaphore_mem>>) src(%dma_wait3A_94 : memref<128x65xf32, #tpu.memory_space<vmem>>) dst(%dma_wait3A_100 : memref<256x65xf32, #tpu.memory_space<vmem_shared>>)
    %add3A_101 = arith.constant 768 : i32
    %add3A_102 = arith.addi %mul3A_2, %add3A_101 : i32
    %dma_start3A_103 = arith.constant 0 : i32
    %dma_start3A_104 = tpu.memref_slice %arg2[%add3A_102, %dma_start3A_103] : memref<65536x65xf32, #tpu.memory_space<hbm>> -> memref<256x65xf32, #tpu.memory_space<hbm>>
    %dma_start3A_105 = arith.constant 0 : i32
    %dma_start3A_106 = tpu.memref_slice %arg2[%add3A_102, %dma_start3A_105] : memref<65536x65xf32, #tpu.memory_space<hbm>> -> memref<256x65xf32, #tpu.memory_space<hbm>>
    tpu.enqueue_dma source(%dma_start3A_106 : memref<256x65xf32, #tpu.memory_space<hbm>>) target(%arg7 : memref<256x65xf32, #tpu.memory_space<vmem>>) target_semaphore(%arg10 : memref<!tpu.dma_semaphore, #tpu.memory_space<semaphore_mem>>)
    %dma_wait3A_107 = arith.constant 0 : i32
    %dma_wait3A_108 = tpu.memref_slice %arg2[%add3A_52, %dma_wait3A_107] : memref<65536x65xf32, #tpu.memory_space<hbm>> -> memref<256x65xf32, #tpu.memory_space<hbm>>
    %dma_wait3A_109 = arith.constant 0 : i32
    %dma_wait3A_110 = tpu.memref_slice %arg2[%add3A_52, %dma_wait3A_109] : memref<65536x65xf32, #tpu.memory_space<hbm>> -> memref<256x65xf32, #tpu.memory_space<hbm>>
    tpu.wait_dma2 semaphore(%arg10 : memref<!tpu.dma_semaphore, #tpu.memory_space<semaphore_mem>>) src(%dma_wait3A_110 : memref<256x65xf32, #tpu.memory_space<hbm>>) dst(%arg6 : memref<256x65xf32, #tpu.memory_space<vmem>>)
    %dma_start3A_111 = arith.constant 4 : i32
    %dma_start3A_112 = arith.constant 0 : i32
    %dma_start3A_113 = arith.constant 0 : i32
    %dma_start3A_114 = tpu.memref_slice %arg6[%dma_start3A_112, %dma_start3A_113] : memref<256x65xf32, #tpu.memory_space<vmem>> -> memref<128x65xf32, #tpu.memory_space<vmem>>
    %dma_start3A_115 = arith.constant 0 : i32
    %dma_start3A_116 = tpu.memref_slice %arg8[%dma_start3A_111, %dma_start3A_115] : memref<16x128xi32, #tpu.memory_space<vmem>> -> memref<1x128xi32, #tpu.memory_space<vmem>>
    %dma_start3A_117 = tpu.memref_squeeze %dma_start3A_116 : memref<1x128xi32, #tpu.memory_space<vmem>> -> memref<128xi32, #tpu.memory_space<vmem>>
    %dma_start3A_118 = arith.constant 0 : i32
    %dma_start3A_119 = arith.constant 0 : i32
    %dma_start3A_120 = tpu.memref_slice %arg9[%dma_start3A_118, %dma_start3A_119] : memref<256x65xf32, #tpu.memory_space<vmem_shared>> -> memref<256x65xf32, #tpu.memory_space<vmem_shared>>
    tpu.enqueue_indirect_dma source(%dma_start3A_114 : memref<128x65xf32, #tpu.memory_space<vmem>>) target(%dma_start3A_120 : memref<256x65xf32, #tpu.memory_space<vmem_shared>>) offsets(%dma_start3A_117 : memref<128xi32, #tpu.memory_space<vmem>>) semaphore(%arg11 : memref<!tpu.dma_semaphore, #tpu.memory_space<semaphore_mem>>) {add = true}
    %dma_start3A_121 = arith.constant 5 : i32
    %dma_start3A_122 = arith.constant 128 : i32
    %dma_start3A_123 = arith.constant 0 : i32
    %dma_start3A_124 = tpu.memref_slice %arg6[%dma_start3A_122, %dma_start3A_123] : memref<256x65xf32, #tpu.memory_space<vmem>> -> memref<128x65xf32, #tpu.memory_space<vmem>>
    %dma_start3A_125 = arith.constant 0 : i32
    %dma_start3A_126 = tpu.memref_slice %arg8[%dma_start3A_121, %dma_start3A_125] : memref<16x128xi32, #tpu.memory_space<vmem>> -> memref<1x128xi32, #tpu.memory_space<vmem>>
    %dma_start3A_127 = tpu.memref_squeeze %dma_start3A_126 : memref<1x128xi32, #tpu.memory_space<vmem>> -> memref<128xi32, #tpu.memory_space<vmem>>
    %dma_start3A_128 = arith.constant 0 : i32
    %dma_start3A_129 = arith.constant 0 : i32
    %dma_start3A_130 = tpu.memref_slice %arg9[%dma_start3A_128, %dma_start3A_129] : memref<256x65xf32, #tpu.memory_space<vmem_shared>> -> memref<256x65xf32, #tpu.memory_space<vmem_shared>>
    tpu.enqueue_indirect_dma source(%dma_start3A_124 : memref<128x65xf32, #tpu.memory_space<vmem>>) target(%dma_start3A_130 : memref<256x65xf32, #tpu.memory_space<vmem_shared>>) offsets(%dma_start3A_127 : memref<128xi32, #tpu.memory_space<vmem>>) semaphore(%arg11 : memref<!tpu.dma_semaphore, #tpu.memory_space<semaphore_mem>>) {add = true}
    %dma_wait3A_131 = arith.constant 4 : i32
    %dma_wait3A_132 = arith.constant 0 : i32
    %dma_wait3A_133 = arith.constant 0 : i32
    %dma_wait3A_134 = tpu.memref_slice %arg6[%dma_wait3A_132, %dma_wait3A_133] : memref<256x65xf32, #tpu.memory_space<vmem>> -> memref<128x65xf32, #tpu.memory_space<vmem>>
    %dma_wait3A_135 = arith.constant 0 : i32
    %dma_wait3A_136 = tpu.memref_slice %arg8[%dma_wait3A_131, %dma_wait3A_135] : memref<16x128xi32, #tpu.memory_space<vmem>> -> memref<1x128xi32, #tpu.memory_space<vmem>>
    %dma_wait3A_137 = tpu.memref_squeeze %dma_wait3A_136 : memref<1x128xi32, #tpu.memory_space<vmem>> -> memref<128xi32, #tpu.memory_space<vmem>>
    %dma_wait3A_138 = arith.constant 0 : i32
    %dma_wait3A_139 = arith.constant 0 : i32
    %dma_wait3A_140 = tpu.memref_slice %arg9[%dma_wait3A_138, %dma_wait3A_139] : memref<256x65xf32, #tpu.memory_space<vmem_shared>> -> memref<256x65xf32, #tpu.memory_space<vmem_shared>>
    tpu.wait_indirect_dma semaphore(%arg11 : memref<!tpu.dma_semaphore, #tpu.memory_space<semaphore_mem>>) src(%dma_wait3A_134 : memref<128x65xf32, #tpu.memory_space<vmem>>) dst(%dma_wait3A_140 : memref<256x65xf32, #tpu.memory_space<vmem_shared>>)
    %dma_wait3A_141 = arith.constant 5 : i32
    %dma_wait3A_142 = arith.constant 128 : i32
    %dma_wait3A_143 = arith.constant 0 : i32
    %dma_wait3A_144 = tpu.memref_slice %arg6[%dma_wait3A_142, %dma_wait3A_143] : memref<256x65xf32, #tpu.memory_space<vmem>> -> memref<128x65xf32, #tpu.memory_space<vmem>>
    %dma_wait3A_145 = arith.constant 0 : i32
    %dma_wait3A_146 = tpu.memref_slice %arg8[%dma_wait3A_141, %dma_wait3A_145] : memref<16x128xi32, #tpu.memory_space<vmem>> -> memref<1x128xi32, #tpu.memory_space<vmem>>
    %dma_wait3A_147 = tpu.memref_squeeze %dma_wait3A_146 : memref<1x128xi32, #tpu.memory_space<vmem>> -> memref<128xi32, #tpu.memory_space<vmem>>
    %dma_wait3A_148 = arith.constant 0 : i32
    %dma_wait3A_149 = arith.constant 0 : i32
    %dma_wait3A_150 = tpu.memref_slice %arg9[%dma_wait3A_148, %dma_wait3A_149] : memref<256x65xf32, #tpu.memory_space<vmem_shared>> -> memref<256x65xf32, #tpu.memory_space<vmem_shared>>
    tpu.wait_indirect_dma semaphore(%arg11 : memref<!tpu.dma_semaphore, #tpu.memory_space<semaphore_mem>>) src(%dma_wait3A_144 : memref<128x65xf32, #tpu.memory_space<vmem>>) dst(%dma_wait3A_150 : memref<256x65xf32, #tpu.memory_space<vmem_shared>>)
    %add3A_151 = arith.constant 1024 : i32
    %add3A_152 = arith.addi %mul3A_2, %add3A_151 : i32
    %dma_start3A_153 = arith.constant 0 : i32
    %dma_start3A_154 = tpu.memref_slice %arg2[%add3A_152, %dma_start3A_153] : memref<65536x65xf32, #tpu.memory_space<hbm>> -> memref<256x65xf32, #tpu.memory_space<hbm>>
    %dma_start3A_155 = arith.constant 0 : i32
    %dma_start3A_156 = tpu.memref_slice %arg2[%add3A_152, %dma_start3A_155] : memref<65536x65xf32, #tpu.memory_space<hbm>> -> memref<256x65xf32, #tpu.memory_space<hbm>>
    tpu.enqueue_dma source(%dma_start3A_156 : memref<256x65xf32, #tpu.memory_space<hbm>>) target(%arg6 : memref<256x65xf32, #tpu.memory_space<vmem>>) target_semaphore(%arg10 : memref<!tpu.dma_semaphore, #tpu.memory_space<semaphore_mem>>)
    %dma_wait3A_157 = arith.constant 0 : i32
    %dma_wait3A_158 = tpu.memref_slice %arg2[%add3A_102, %dma_wait3A_157] : memref<65536x65xf32, #tpu.memory_space<hbm>> -> memref<256x65xf32, #tpu.memory_space<hbm>>
    %dma_wait3A_159 = arith.constant 0 : i32
    %dma_wait3A_160 = tpu.memref_slice %arg2[%add3A_102, %dma_wait3A_159] : memref<65536x65xf32, #tpu.memory_space<hbm>> -> memref<256x65xf32, #tpu.memory_space<hbm>>
    tpu.wait_dma2 semaphore(%arg10 : memref<!tpu.dma_semaphore, #tpu.memory_space<semaphore_mem>>) src(%dma_wait3A_160 : memref<256x65xf32, #tpu.memory_space<hbm>>) dst(%arg7 : memref<256x65xf32, #tpu.memory_space<vmem>>)
    %dma_start3A_161 = arith.constant 6 : i32
    %dma_start3A_162 = arith.constant 0 : i32
    %dma_start3A_163 = arith.constant 0 : i32
    %dma_start3A_164 = tpu.memref_slice %arg7[%dma_start3A_162, %dma_start3A_163] : memref<256x65xf32, #tpu.memory_space<vmem>> -> memref<128x65xf32, #tpu.memory_space<vmem>>
    %dma_start3A_165 = arith.constant 0 : i32
    %dma_start3A_166 = tpu.memref_slice %arg8[%dma_start3A_161, %dma_start3A_165] : memref<16x128xi32, #tpu.memory_space<vmem>> -> memref<1x128xi32, #tpu.memory_space<vmem>>
    %dma_start3A_167 = tpu.memref_squeeze %dma_start3A_166 : memref<1x128xi32, #tpu.memory_space<vmem>> -> memref<128xi32, #tpu.memory_space<vmem>>
    %dma_start3A_168 = arith.constant 0 : i32
    %dma_start3A_169 = arith.constant 0 : i32
    %dma_start3A_170 = tpu.memref_slice %arg9[%dma_start3A_168, %dma_start3A_169] : memref<256x65xf32, #tpu.memory_space<vmem_shared>> -> memref<256x65xf32, #tpu.memory_space<vmem_shared>>
    tpu.enqueue_indirect_dma source(%dma_start3A_164 : memref<128x65xf32, #tpu.memory_space<vmem>>) target(%dma_start3A_170 : memref<256x65xf32, #tpu.memory_space<vmem_shared>>) offsets(%dma_start3A_167 : memref<128xi32, #tpu.memory_space<vmem>>) semaphore(%arg11 : memref<!tpu.dma_semaphore, #tpu.memory_space<semaphore_mem>>) {add = true}
    %dma_start3A_171 = arith.constant 7 : i32
    %dma_start3A_172 = arith.constant 128 : i32
    %dma_start3A_173 = arith.constant 0 : i32
    %dma_start3A_174 = tpu.memref_slice %arg7[%dma_start3A_172, %dma_start3A_173] : memref<256x65xf32, #tpu.memory_space<vmem>> -> memref<128x65xf32, #tpu.memory_space<vmem>>
    %dma_start3A_175 = arith.constant 0 : i32
    %dma_start3A_176 = tpu.memref_slice %arg8[%dma_start3A_171, %dma_start3A_175] : memref<16x128xi32, #tpu.memory_space<vmem>> -> memref<1x128xi32, #tpu.memory_space<vmem>>
    %dma_start3A_177 = tpu.memref_squeeze %dma_start3A_176 : memref<1x128xi32, #tpu.memory_space<vmem>> -> memref<128xi32, #tpu.memory_space<vmem>>
    %dma_start3A_178 = arith.constant 0 : i32
    %dma_start3A_179 = arith.constant 0 : i32
    %dma_start3A_180 = tpu.memref_slice %arg9[%dma_start3A_178, %dma_start3A_179] : memref<256x65xf32, #tpu.memory_space<vmem_shared>> -> memref<256x65xf32, #tpu.memory_space<vmem_shared>>
    tpu.enqueue_indirect_dma source(%dma_start3A_174 : memref<128x65xf32, #tpu.memory_space<vmem>>) target(%dma_start3A_180 : memref<256x65xf32, #tpu.memory_space<vmem_shared>>) offsets(%dma_start3A_177 : memref<128xi32, #tpu.memory_space<vmem>>) semaphore(%arg11 : memref<!tpu.dma_semaphore, #tpu.memory_space<semaphore_mem>>) {add = true}
    %dma_wait3A_181 = arith.constant 6 : i32
    %dma_wait3A_182 = arith.constant 0 : i32
    %dma_wait3A_183 = arith.constant 0 : i32
    %dma_wait3A_184 = tpu.memref_slice %arg7[%dma_wait3A_182, %dma_wait3A_183] : memref<256x65xf32, #tpu.memory_space<vmem>> -> memref<128x65xf32, #tpu.memory_space<vmem>>
    %dma_wait3A_185 = arith.constant 0 : i32
    %dma_wait3A_186 = tpu.memref_slice %arg8[%dma_wait3A_181, %dma_wait3A_185] : memref<16x128xi32, #tpu.memory_space<vmem>> -> memref<1x128xi32, #tpu.memory_space<vmem>>
    %dma_wait3A_187 = tpu.memref_squeeze %dma_wait3A_186 : memref<1x128xi32, #tpu.memory_space<vmem>> -> memref<128xi32, #tpu.memory_space<vmem>>
    %dma_wait3A_188 = arith.constant 0 : i32
    %dma_wait3A_189 = arith.constant 0 : i32
    %dma_wait3A_190 = tpu.memref_slice %arg9[%dma_wait3A_188, %dma_wait3A_189] : memref<256x65xf32, #tpu.memory_space<vmem_shared>> -> memref<256x65xf32, #tpu.memory_space<vmem_shared>>
    tpu.wait_indirect_dma semaphore(%arg11 : memref<!tpu.dma_semaphore, #tpu.memory_space<semaphore_mem>>) src(%dma_wait3A_184 : memref<128x65xf32, #tpu.memory_space<vmem>>) dst(%dma_wait3A_190 : memref<256x65xf32, #tpu.memory_space<vmem_shared>>)
    %dma_wait3A_191 = arith.constant 7 : i32
    %dma_wait3A_192 = arith.constant 128 : i32
    %dma_wait3A_193 = arith.constant 0 : i32
    %dma_wait3A_194 = tpu.memref_slice %arg7[%dma_wait3A_192, %dma_wait3A_193] : memref<256x65xf32, #tpu.memory_space<vmem>> -> memref<128x65xf32, #tpu.memory_space<vmem>>
    %dma_wait3A_195 = arith.constant 0 : i32
    %dma_wait3A_196 = tpu.memref_slice %arg8[%dma_wait3A_191, %dma_wait3A_195] : memref<16x128xi32, #tpu.memory_space<vmem>> -> memref<1x128xi32, #tpu.memory_space<vmem>>
    %dma_wait3A_197 = tpu.memref_squeeze %dma_wait3A_196 : memref<1x128xi32, #tpu.memory_space<vmem>> -> memref<128xi32, #tpu.memory_space<vmem>>
    %dma_wait3A_198 = arith.constant 0 : i32
    %dma_wait3A_199 = arith.constant 0 : i32
    %dma_wait3A_200 = tpu.memref_slice %arg9[%dma_wait3A_198, %dma_wait3A_199] : memref<256x65xf32, #tpu.memory_space<vmem_shared>> -> memref<256x65xf32, #tpu.memory_space<vmem_shared>>
    tpu.wait_indirect_dma semaphore(%arg11 : memref<!tpu.dma_semaphore, #tpu.memory_space<semaphore_mem>>) src(%dma_wait3A_194 : memref<128x65xf32, #tpu.memory_space<vmem>>) dst(%dma_wait3A_200 : memref<256x65xf32, #tpu.memory_space<vmem_shared>>)
    %add3A_201 = arith.constant 1280 : i32
    %add3A_202 = arith.addi %mul3A_2, %add3A_201 : i32
    %dma_start3A_203 = arith.constant 0 : i32
    %dma_start3A_204 = tpu.memref_slice %arg2[%add3A_202, %dma_start3A_203] : memref<65536x65xf32, #tpu.memory_space<hbm>> -> memref<256x65xf32, #tpu.memory_space<hbm>>
    %dma_start3A_205 = arith.constant 0 : i32
    %dma_start3A_206 = tpu.memref_slice %arg2[%add3A_202, %dma_start3A_205] : memref<65536x65xf32, #tpu.memory_space<hbm>> -> memref<256x65xf32, #tpu.memory_space<hbm>>
    tpu.enqueue_dma source(%dma_start3A_206 : memref<256x65xf32, #tpu.memory_space<hbm>>) target(%arg7 : memref<256x65xf32, #tpu.memory_space<vmem>>) target_semaphore(%arg10 : memref<!tpu.dma_semaphore, #tpu.memory_space<semaphore_mem>>)
    %dma_wait3A_207 = arith.constant 0 : i32
    %dma_wait3A_208 = tpu.memref_slice %arg2[%add3A_152, %dma_wait3A_207] : memref<65536x65xf32, #tpu.memory_space<hbm>> -> memref<256x65xf32, #tpu.memory_space<hbm>>
    %dma_wait3A_209 = arith.constant 0 : i32
    %dma_wait3A_210 = tpu.memref_slice %arg2[%add3A_152, %dma_wait3A_209] : memref<65536x65xf32, #tpu.memory_space<hbm>> -> memref<256x65xf32, #tpu.memory_space<hbm>>
    tpu.wait_dma2 semaphore(%arg10 : memref<!tpu.dma_semaphore, #tpu.memory_space<semaphore_mem>>) src(%dma_wait3A_210 : memref<256x65xf32, #tpu.memory_space<hbm>>) dst(%arg6 : memref<256x65xf32, #tpu.memory_space<vmem>>)
    %dma_start3A_211 = arith.constant 8 : i32
    %dma_start3A_212 = arith.constant 0 : i32
    %dma_start3A_213 = arith.constant 0 : i32
    %dma_start3A_214 = tpu.memref_slice %arg6[%dma_start3A_212, %dma_start3A_213] : memref<256x65xf32, #tpu.memory_space<vmem>> -> memref<128x65xf32, #tpu.memory_space<vmem>>
    %dma_start3A_215 = arith.constant 0 : i32
    %dma_start3A_216 = tpu.memref_slice %arg8[%dma_start3A_211, %dma_start3A_215] : memref<16x128xi32, #tpu.memory_space<vmem>> -> memref<1x128xi32, #tpu.memory_space<vmem>>
    %dma_start3A_217 = tpu.memref_squeeze %dma_start3A_216 : memref<1x128xi32, #tpu.memory_space<vmem>> -> memref<128xi32, #tpu.memory_space<vmem>>
    %dma_start3A_218 = arith.constant 0 : i32
    %dma_start3A_219 = arith.constant 0 : i32
    %dma_start3A_220 = tpu.memref_slice %arg9[%dma_start3A_218, %dma_start3A_219] : memref<256x65xf32, #tpu.memory_space<vmem_shared>> -> memref<256x65xf32, #tpu.memory_space<vmem_shared>>
    tpu.enqueue_indirect_dma source(%dma_start3A_214 : memref<128x65xf32, #tpu.memory_space<vmem>>) target(%dma_start3A_220 : memref<256x65xf32, #tpu.memory_space<vmem_shared>>) offsets(%dma_start3A_217 : memref<128xi32, #tpu.memory_space<vmem>>) semaphore(%arg11 : memref<!tpu.dma_semaphore, #tpu.memory_space<semaphore_mem>>) {add = true}
    %dma_start3A_221 = arith.constant 9 : i32
    %dma_start3A_222 = arith.constant 128 : i32
    %dma_start3A_223 = arith.constant 0 : i32
    %dma_start3A_224 = tpu.memref_slice %arg6[%dma_start3A_222, %dma_start3A_223] : memref<256x65xf32, #tpu.memory_space<vmem>> -> memref<128x65xf32, #tpu.memory_space<vmem>>
    %dma_start3A_225 = arith.constant 0 : i32
    %dma_start3A_226 = tpu.memref_slice %arg8[%dma_start3A_221, %dma_start3A_225] : memref<16x128xi32, #tpu.memory_space<vmem>> -> memref<1x128xi32, #tpu.memory_space<vmem>>
    %dma_start3A_227 = tpu.memref_squeeze %dma_start3A_226 : memref<1x128xi32, #tpu.memory_space<vmem>> -> memref<128xi32, #tpu.memory_space<vmem>>
    %dma_start3A_228 = arith.constant 0 : i32
    %dma_start3A_229 = arith.constant 0 : i32
    %dma_start3A_230 = tpu.memref_slice %arg9[%dma_start3A_228, %dma_start3A_229] : memref<256x65xf32, #tpu.memory_space<vmem_shared>> -> memref<256x65xf32, #tpu.memory_space<vmem_shared>>
    tpu.enqueue_indirect_dma source(%dma_start3A_224 : memref<128x65xf32, #tpu.memory_space<vmem>>) target(%dma_start3A_230 : memref<256x65xf32, #tpu.memory_space<vmem_shared>>) offsets(%dma_start3A_227 : memref<128xi32, #tpu.memory_space<vmem>>) semaphore(%arg11 : memref<!tpu.dma_semaphore, #tpu.memory_space<semaphore_mem>>) {add = true}
    %dma_wait3A_231 = arith.constant 8 : i32
    %dma_wait3A_232 = arith.constant 0 : i32
    %dma_wait3A_233 = arith.constant 0 : i32
    %dma_wait3A_234 = tpu.memref_slice %arg6[%dma_wait3A_232, %dma_wait3A_233] : memref<256x65xf32, #tpu.memory_space<vmem>> -> memref<128x65xf32, #tpu.memory_space<vmem>>
    %dma_wait3A_235 = arith.constant 0 : i32
    %dma_wait3A_236 = tpu.memref_slice %arg8[%dma_wait3A_231, %dma_wait3A_235] : memref<16x128xi32, #tpu.memory_space<vmem>> -> memref<1x128xi32, #tpu.memory_space<vmem>>
    %dma_wait3A_237 = tpu.memref_squeeze %dma_wait3A_236 : memref<1x128xi32, #tpu.memory_space<vmem>> -> memref<128xi32, #tpu.memory_space<vmem>>
    %dma_wait3A_238 = arith.constant 0 : i32
    %dma_wait3A_239 = arith.constant 0 : i32
    %dma_wait3A_240 = tpu.memref_slice %arg9[%dma_wait3A_238, %dma_wait3A_239] : memref<256x65xf32, #tpu.memory_space<vmem_shared>> -> memref<256x65xf32, #tpu.memory_space<vmem_shared>>
    tpu.wait_indirect_dma semaphore(%arg11 : memref<!tpu.dma_semaphore, #tpu.memory_space<semaphore_mem>>) src(%dma_wait3A_234 : memref<128x65xf32, #tpu.memory_space<vmem>>) dst(%dma_wait3A_240 : memref<256x65xf32, #tpu.memory_space<vmem_shared>>)
    %dma_wait3A_241 = arith.constant 9 : i32
    %dma_wait3A_242 = arith.constant 128 : i32
    %dma_wait3A_243 = arith.constant 0 : i32
    %dma_wait3A_244 = tpu.memref_slice %arg6[%dma_wait3A_242, %dma_wait3A_243] : memref<256x65xf32, #tpu.memory_space<vmem>> -> memref<128x65xf32, #tpu.memory_space<vmem>>
    %dma_wait3A_245 = arith.constant 0 : i32
    %dma_wait3A_246 = tpu.memref_slice %arg8[%dma_wait3A_241, %dma_wait3A_245] : memref<16x128xi32, #tpu.memory_space<vmem>> -> memref<1x128xi32, #tpu.memory_space<vmem>>
    %dma_wait3A_247 = tpu.memref_squeeze %dma_wait3A_246 : memref<1x128xi32, #tpu.memory_space<vmem>> -> memref<128xi32, #tpu.memory_space<vmem>>
    %dma_wait3A_248 = arith.constant 0 : i32
    %dma_wait3A_249 = arith.constant 0 : i32
    %dma_wait3A_250 = tpu.memref_slice %arg9[%dma_wait3A_248, %dma_wait3A_249] : memref<256x65xf32, #tpu.memory_space<vmem_shared>> -> memref<256x65xf32, #tpu.memory_space<vmem_shared>>
    tpu.wait_indirect_dma semaphore(%arg11 : memref<!tpu.dma_semaphore, #tpu.memory_space<semaphore_mem>>) src(%dma_wait3A_244 : memref<128x65xf32, #tpu.memory_space<vmem>>) dst(%dma_wait3A_250 : memref<256x65xf32, #tpu.memory_space<vmem_shared>>)
    %add3A_251 = arith.constant 1536 : i32
    %add3A_252 = arith.addi %mul3A_2, %add3A_251 : i32
    %dma_start3A_253 = arith.constant 0 : i32
    %dma_start3A_254 = tpu.memref_slice %arg2[%add3A_252, %dma_start3A_253] : memref<65536x65xf32, #tpu.memory_space<hbm>> -> memref<256x65xf32, #tpu.memory_space<hbm>>
    %dma_start3A_255 = arith.constant 0 : i32
    %dma_start3A_256 = tpu.memref_slice %arg2[%add3A_252, %dma_start3A_255] : memref<65536x65xf32, #tpu.memory_space<hbm>> -> memref<256x65xf32, #tpu.memory_space<hbm>>
    tpu.enqueue_dma source(%dma_start3A_256 : memref<256x65xf32, #tpu.memory_space<hbm>>) target(%arg6 : memref<256x65xf32, #tpu.memory_space<vmem>>) target_semaphore(%arg10 : memref<!tpu.dma_semaphore, #tpu.memory_space<semaphore_mem>>)
    %dma_wait3A_257 = arith.constant 0 : i32
    %dma_wait3A_258 = tpu.memref_slice %arg2[%add3A_202, %dma_wait3A_257] : memref<65536x65xf32, #tpu.memory_space<hbm>> -> memref<256x65xf32, #tpu.memory_space<hbm>>
    %dma_wait3A_259 = arith.constant 0 : i32
    %dma_wait3A_260 = tpu.memref_slice %arg2[%add3A_202, %dma_wait3A_259] : memref<65536x65xf32, #tpu.memory_space<hbm>> -> memref<256x65xf32, #tpu.memory_space<hbm>>
    tpu.wait_dma2 semaphore(%arg10 : memref<!tpu.dma_semaphore, #tpu.memory_space<semaphore_mem>>) src(%dma_wait3A_260 : memref<256x65xf32, #tpu.memory_space<hbm>>) dst(%arg7 : memref<256x65xf32, #tpu.memory_space<vmem>>)
    %dma_start3A_261 = arith.constant 10 : i32
    %dma_start3A_262 = arith.constant 0 : i32
    %dma_start3A_263 = arith.constant 0 : i32
    %dma_start3A_264 = tpu.memref_slice %arg7[%dma_start3A_262, %dma_start3A_263] : memref<256x65xf32, #tpu.memory_space<vmem>> -> memref<128x65xf32, #tpu.memory_space<vmem>>
    %dma_start3A_265 = arith.constant 0 : i32
    %dma_start3A_266 = tpu.memref_slice %arg8[%dma_start3A_261, %dma_start3A_265] : memref<16x128xi32, #tpu.memory_space<vmem>> -> memref<1x128xi32, #tpu.memory_space<vmem>>
    %dma_start3A_267 = tpu.memref_squeeze %dma_start3A_266 : memref<1x128xi32, #tpu.memory_space<vmem>> -> memref<128xi32, #tpu.memory_space<vmem>>
    %dma_start3A_268 = arith.constant 0 : i32
    %dma_start3A_269 = arith.constant 0 : i32
    %dma_start3A_270 = tpu.memref_slice %arg9[%dma_start3A_268, %dma_start3A_269] : memref<256x65xf32, #tpu.memory_space<vmem_shared>> -> memref<256x65xf32, #tpu.memory_space<vmem_shared>>
    tpu.enqueue_indirect_dma source(%dma_start3A_264 : memref<128x65xf32, #tpu.memory_space<vmem>>) target(%dma_start3A_270 : memref<256x65xf32, #tpu.memory_space<vmem_shared>>) offsets(%dma_start3A_267 : memref<128xi32, #tpu.memory_space<vmem>>) semaphore(%arg11 : memref<!tpu.dma_semaphore, #tpu.memory_space<semaphore_mem>>) {add = true}
    %dma_start3A_271 = arith.constant 11 : i32
    %dma_start3A_272 = arith.constant 128 : i32
    %dma_start3A_273 = arith.constant 0 : i32
    %dma_start3A_274 = tpu.memref_slice %arg7[%dma_start3A_272, %dma_start3A_273] : memref<256x65xf32, #tpu.memory_space<vmem>> -> memref<128x65xf32, #tpu.memory_space<vmem>>
    %dma_start3A_275 = arith.constant 0 : i32
    %dma_start3A_276 = tpu.memref_slice %arg8[%dma_start3A_271, %dma_start3A_275] : memref<16x128xi32, #tpu.memory_space<vmem>> -> memref<1x128xi32, #tpu.memory_space<vmem>>
    %dma_start3A_277 = tpu.memref_squeeze %dma_start3A_276 : memref<1x128xi32, #tpu.memory_space<vmem>> -> memref<128xi32, #tpu.memory_space<vmem>>
    %dma_start3A_278 = arith.constant 0 : i32
    %dma_start3A_279 = arith.constant 0 : i32
    %dma_start3A_280 = tpu.memref_slice %arg9[%dma_start3A_278, %dma_start3A_279] : memref<256x65xf32, #tpu.memory_space<vmem_shared>> -> memref<256x65xf32, #tpu.memory_space<vmem_shared>>
    tpu.enqueue_indirect_dma source(%dma_start3A_274 : memref<128x65xf32, #tpu.memory_space<vmem>>) target(%dma_start3A_280 : memref<256x65xf32, #tpu.memory_space<vmem_shared>>) offsets(%dma_start3A_277 : memref<128xi32, #tpu.memory_space<vmem>>) semaphore(%arg11 : memref<!tpu.dma_semaphore, #tpu.memory_space<semaphore_mem>>) {add = true}
    %dma_wait3A_281 = arith.constant 10 : i32
    %dma_wait3A_282 = arith.constant 0 : i32
    %dma_wait3A_283 = arith.constant 0 : i32
    %dma_wait3A_284 = tpu.memref_slice %arg7[%dma_wait3A_282, %dma_wait3A_283] : memref<256x65xf32, #tpu.memory_space<vmem>> -> memref<128x65xf32, #tpu.memory_space<vmem>>
    %dma_wait3A_285 = arith.constant 0 : i32
    %dma_wait3A_286 = tpu.memref_slice %arg8[%dma_wait3A_281, %dma_wait3A_285] : memref<16x128xi32, #tpu.memory_space<vmem>> -> memref<1x128xi32, #tpu.memory_space<vmem>>
    %dma_wait3A_287 = tpu.memref_squeeze %dma_wait3A_286 : memref<1x128xi32, #tpu.memory_space<vmem>> -> memref<128xi32, #tpu.memory_space<vmem>>
    %dma_wait3A_288 = arith.constant 0 : i32
    %dma_wait3A_289 = arith.constant 0 : i32
    %dma_wait3A_290 = tpu.memref_slice %arg9[%dma_wait3A_288, %dma_wait3A_289] : memref<256x65xf32, #tpu.memory_space<vmem_shared>> -> memref<256x65xf32, #tpu.memory_space<vmem_shared>>
    tpu.wait_indirect_dma semaphore(%arg11 : memref<!tpu.dma_semaphore, #tpu.memory_space<semaphore_mem>>) src(%dma_wait3A_284 : memref<128x65xf32, #tpu.memory_space<vmem>>) dst(%dma_wait3A_290 : memref<256x65xf32, #tpu.memory_space<vmem_shared>>)
    %dma_wait3A_291 = arith.constant 11 : i32
    %dma_wait3A_292 = arith.constant 128 : i32
    %dma_wait3A_293 = arith.constant 0 : i32
    %dma_wait3A_294 = tpu.memref_slice %arg7[%dma_wait3A_292, %dma_wait3A_293] : memref<256x65xf32, #tpu.memory_space<vmem>> -> memref<128x65xf32, #tpu.memory_space<vmem>>
    %dma_wait3A_295 = arith.constant 0 : i32
    %dma_wait3A_296 = tpu.memref_slice %arg8[%dma_wait3A_291, %dma_wait3A_295] : memref<16x128xi32, #tpu.memory_space<vmem>> -> memref<1x128xi32, #tpu.memory_space<vmem>>
    %dma_wait3A_297 = tpu.memref_squeeze %dma_wait3A_296 : memref<1x128xi32, #tpu.memory_space<vmem>> -> memref<128xi32, #tpu.memory_space<vmem>>
    %dma_wait3A_298 = arith.constant 0 : i32
    %dma_wait3A_299 = arith.constant 0 : i32
    %dma_wait3A_300 = tpu.memref_slice %arg9[%dma_wait3A_298, %dma_wait3A_299] : memref<256x65xf32, #tpu.memory_space<vmem_shared>> -> memref<256x65xf32, #tpu.memory_space<vmem_shared>>
    tpu.wait_indirect_dma semaphore(%arg11 : memref<!tpu.dma_semaphore, #tpu.memory_space<semaphore_mem>>) src(%dma_wait3A_294 : memref<128x65xf32, #tpu.memory_space<vmem>>) dst(%dma_wait3A_300 : memref<256x65xf32, #tpu.memory_space<vmem_shared>>)
    %add3A_301 = arith.constant 1792 : i32
    %add3A_302 = arith.addi %mul3A_2, %add3A_301 : i32
    %dma_start3A_303 = arith.constant 0 : i32
    %dma_start3A_304 = tpu.memref_slice %arg2[%add3A_302, %dma_start3A_303] : memref<65536x65xf32, #tpu.memory_space<hbm>> -> memref<256x65xf32, #tpu.memory_space<hbm>>
    %dma_start3A_305 = arith.constant 0 : i32
    %dma_start3A_306 = tpu.memref_slice %arg2[%add3A_302, %dma_start3A_305] : memref<65536x65xf32, #tpu.memory_space<hbm>> -> memref<256x65xf32, #tpu.memory_space<hbm>>
    tpu.enqueue_dma source(%dma_start3A_306 : memref<256x65xf32, #tpu.memory_space<hbm>>) target(%arg7 : memref<256x65xf32, #tpu.memory_space<vmem>>) target_semaphore(%arg10 : memref<!tpu.dma_semaphore, #tpu.memory_space<semaphore_mem>>)
    %dma_wait3A_307 = arith.constant 0 : i32
    %dma_wait3A_308 = tpu.memref_slice %arg2[%add3A_252, %dma_wait3A_307] : memref<65536x65xf32, #tpu.memory_space<hbm>> -> memref<256x65xf32, #tpu.memory_space<hbm>>
    %dma_wait3A_309 = arith.constant 0 : i32
    %dma_wait3A_310 = tpu.memref_slice %arg2[%add3A_252, %dma_wait3A_309] : memref<65536x65xf32, #tpu.memory_space<hbm>> -> memref<256x65xf32, #tpu.memory_space<hbm>>
    tpu.wait_dma2 semaphore(%arg10 : memref<!tpu.dma_semaphore, #tpu.memory_space<semaphore_mem>>) src(%dma_wait3A_310 : memref<256x65xf32, #tpu.memory_space<hbm>>) dst(%arg6 : memref<256x65xf32, #tpu.memory_space<vmem>>)
    %dma_start3A_311 = arith.constant 12 : i32
    %dma_start3A_312 = arith.constant 0 : i32
    %dma_start3A_313 = arith.constant 0 : i32
    %dma_start3A_314 = tpu.memref_slice %arg6[%dma_start3A_312, %dma_start3A_313] : memref<256x65xf32, #tpu.memory_space<vmem>> -> memref<128x65xf32, #tpu.memory_space<vmem>>
    %dma_start3A_315 = arith.constant 0 : i32
    %dma_start3A_316 = tpu.memref_slice %arg8[%dma_start3A_311, %dma_start3A_315] : memref<16x128xi32, #tpu.memory_space<vmem>> -> memref<1x128xi32, #tpu.memory_space<vmem>>
    %dma_start3A_317 = tpu.memref_squeeze %dma_start3A_316 : memref<1x128xi32, #tpu.memory_space<vmem>> -> memref<128xi32, #tpu.memory_space<vmem>>
    %dma_start3A_318 = arith.constant 0 : i32
    %dma_start3A_319 = arith.constant 0 : i32
    %dma_start3A_320 = tpu.memref_slice %arg9[%dma_start3A_318, %dma_start3A_319] : memref<256x65xf32, #tpu.memory_space<vmem_shared>> -> memref<256x65xf32, #tpu.memory_space<vmem_shared>>
    tpu.enqueue_indirect_dma source(%dma_start3A_314 : memref<128x65xf32, #tpu.memory_space<vmem>>) target(%dma_start3A_320 : memref<256x65xf32, #tpu.memory_space<vmem_shared>>) offsets(%dma_start3A_317 : memref<128xi32, #tpu.memory_space<vmem>>) semaphore(%arg11 : memref<!tpu.dma_semaphore, #tpu.memory_space<semaphore_mem>>) {add = true}
    %dma_start3A_321 = arith.constant 13 : i32
    %dma_start3A_322 = arith.constant 128 : i32
    %dma_start3A_323 = arith.constant 0 : i32
    %dma_start3A_324 = tpu.memref_slice %arg6[%dma_start3A_322, %dma_start3A_323] : memref<256x65xf32, #tpu.memory_space<vmem>> -> memref<128x65xf32, #tpu.memory_space<vmem>>
    %dma_start3A_325 = arith.constant 0 : i32
    %dma_start3A_326 = tpu.memref_slice %arg8[%dma_start3A_321, %dma_start3A_325] : memref<16x128xi32, #tpu.memory_space<vmem>> -> memref<1x128xi32, #tpu.memory_space<vmem>>
    %dma_start3A_327 = tpu.memref_squeeze %dma_start3A_326 : memref<1x128xi32, #tpu.memory_space<vmem>> -> memref<128xi32, #tpu.memory_space<vmem>>
    %dma_start3A_328 = arith.constant 0 : i32
    %dma_start3A_329 = arith.constant 0 : i32
    %dma_start3A_330 = tpu.memref_slice %arg9[%dma_start3A_328, %dma_start3A_329] : memref<256x65xf32, #tpu.memory_space<vmem_shared>> -> memref<256x65xf32, #tpu.memory_space<vmem_shared>>
    tpu.enqueue_indirect_dma source(%dma_start3A_324 : memref<128x65xf32, #tpu.memory_space<vmem>>) target(%dma_start3A_330 : memref<256x65xf32, #tpu.memory_space<vmem_shared>>) offsets(%dma_start3A_327 : memref<128xi32, #tpu.memory_space<vmem>>) semaphore(%arg11 : memref<!tpu.dma_semaphore, #tpu.memory_space<semaphore_mem>>) {add = true}
    %dma_wait3A_331 = arith.constant 12 : i32
    %dma_wait3A_332 = arith.constant 0 : i32
    %dma_wait3A_333 = arith.constant 0 : i32
    %dma_wait3A_334 = tpu.memref_slice %arg6[%dma_wait3A_332, %dma_wait3A_333] : memref<256x65xf32, #tpu.memory_space<vmem>> -> memref<128x65xf32, #tpu.memory_space<vmem>>
    %dma_wait3A_335 = arith.constant 0 : i32
    %dma_wait3A_336 = tpu.memref_slice %arg8[%dma_wait3A_331, %dma_wait3A_335] : memref<16x128xi32, #tpu.memory_space<vmem>> -> memref<1x128xi32, #tpu.memory_space<vmem>>
    %dma_wait3A_337 = tpu.memref_squeeze %dma_wait3A_336 : memref<1x128xi32, #tpu.memory_space<vmem>> -> memref<128xi32, #tpu.memory_space<vmem>>
    %dma_wait3A_338 = arith.constant 0 : i32
    %dma_wait3A_339 = arith.constant 0 : i32
    %dma_wait3A_340 = tpu.memref_slice %arg9[%dma_wait3A_338, %dma_wait3A_339] : memref<256x65xf32, #tpu.memory_space<vmem_shared>> -> memref<256x65xf32, #tpu.memory_space<vmem_shared>>
    tpu.wait_indirect_dma semaphore(%arg11 : memref<!tpu.dma_semaphore, #tpu.memory_space<semaphore_mem>>) src(%dma_wait3A_334 : memref<128x65xf32, #tpu.memory_space<vmem>>) dst(%dma_wait3A_340 : memref<256x65xf32, #tpu.memory_space<vmem_shared>>)
    %dma_wait3A_341 = arith.constant 13 : i32
    %dma_wait3A_342 = arith.constant 128 : i32
    %dma_wait3A_343 = arith.constant 0 : i32
    %dma_wait3A_344 = tpu.memref_slice %arg6[%dma_wait3A_342, %dma_wait3A_343] : memref<256x65xf32, #tpu.memory_space<vmem>> -> memref<128x65xf32, #tpu.memory_space<vmem>>
    %dma_wait3A_345 = arith.constant 0 : i32
    %dma_wait3A_346 = tpu.memref_slice %arg8[%dma_wait3A_341, %dma_wait3A_345] : memref<16x128xi32, #tpu.memory_space<vmem>> -> memref<1x128xi32, #tpu.memory_space<vmem>>
    %dma_wait3A_347 = tpu.memref_squeeze %dma_wait3A_346 : memref<1x128xi32, #tpu.memory_space<vmem>> -> memref<128xi32, #tpu.memory_space<vmem>>
    %dma_wait3A_348 = arith.constant 0 : i32
    %dma_wait3A_349 = arith.constant 0 : i32
    %dma_wait3A_350 = tpu.memref_slice %arg9[%dma_wait3A_348, %dma_wait3A_349] : memref<256x65xf32, #tpu.memory_space<vmem_shared>> -> memref<256x65xf32, #tpu.memory_space<vmem_shared>>
    tpu.wait_indirect_dma semaphore(%arg11 : memref<!tpu.dma_semaphore, #tpu.memory_space<semaphore_mem>>) src(%dma_wait3A_344 : memref<128x65xf32, #tpu.memory_space<vmem>>) dst(%dma_wait3A_350 : memref<256x65xf32, #tpu.memory_space<vmem_shared>>)
    %dma_wait3A_351 = arith.constant 0 : i32
    %dma_wait3A_352 = tpu.memref_slice %arg2[%add3A_302, %dma_wait3A_351] : memref<65536x65xf32, #tpu.memory_space<hbm>> -> memref<256x65xf32, #tpu.memory_space<hbm>>
    %dma_wait3A_353 = arith.constant 0 : i32
    %dma_wait3A_354 = tpu.memref_slice %arg2[%add3A_302, %dma_wait3A_353] : memref<65536x65xf32, #tpu.memory_space<hbm>> -> memref<256x65xf32, #tpu.memory_space<hbm>>
    tpu.wait_dma2 semaphore(%arg10 : memref<!tpu.dma_semaphore, #tpu.memory_space<semaphore_mem>>) src(%dma_wait3A_354 : memref<256x65xf32, #tpu.memory_space<hbm>>) dst(%arg7 : memref<256x65xf32, #tpu.memory_space<vmem>>)
    %dma_start3A_355 = arith.constant 14 : i32
    %dma_start3A_356 = arith.constant 0 : i32
    %dma_start3A_357 = arith.constant 0 : i32
    %dma_start3A_358 = tpu.memref_slice %arg7[%dma_start3A_356, %dma_start3A_357] : memref<256x65xf32, #tpu.memory_space<vmem>> -> memref<128x65xf32, #tpu.memory_space<vmem>>
    %dma_start3A_359 = arith.constant 0 : i32
    %dma_start3A_360 = tpu.memref_slice %arg8[%dma_start3A_355, %dma_start3A_359] : memref<16x128xi32, #tpu.memory_space<vmem>> -> memref<1x128xi32, #tpu.memory_space<vmem>>
    %dma_start3A_361 = tpu.memref_squeeze %dma_start3A_360 : memref<1x128xi32, #tpu.memory_space<vmem>> -> memref<128xi32, #tpu.memory_space<vmem>>
    %dma_start3A_362 = arith.constant 0 : i32
    %dma_start3A_363 = arith.constant 0 : i32
    %dma_start3A_364 = tpu.memref_slice %arg9[%dma_start3A_362, %dma_start3A_363] : memref<256x65xf32, #tpu.memory_space<vmem_shared>> -> memref<256x65xf32, #tpu.memory_space<vmem_shared>>
    tpu.enqueue_indirect_dma source(%dma_start3A_358 : memref<128x65xf32, #tpu.memory_space<vmem>>) target(%dma_start3A_364 : memref<256x65xf32, #tpu.memory_space<vmem_shared>>) offsets(%dma_start3A_361 : memref<128xi32, #tpu.memory_space<vmem>>) semaphore(%arg11 : memref<!tpu.dma_semaphore, #tpu.memory_space<semaphore_mem>>) {add = true}
    %dma_start3A_365 = arith.constant 15 : i32
    %dma_start3A_366 = arith.constant 128 : i32
    %dma_start3A_367 = arith.constant 0 : i32
    %dma_start3A_368 = tpu.memref_slice %arg7[%dma_start3A_366, %dma_start3A_367] : memref<256x65xf32, #tpu.memory_space<vmem>> -> memref<128x65xf32, #tpu.memory_space<vmem>>
    %dma_start3A_369 = arith.constant 0 : i32
    %dma_start3A_370 = tpu.memref_slice %arg8[%dma_start3A_365, %dma_start3A_369] : memref<16x128xi32, #tpu.memory_space<vmem>> -> memref<1x128xi32, #tpu.memory_space<vmem>>
    %dma_start3A_371 = tpu.memref_squeeze %dma_start3A_370 : memref<1x128xi32, #tpu.memory_space<vmem>> -> memref<128xi32, #tpu.memory_space<vmem>>
    %dma_start3A_372 = arith.constant 0 : i32
    %dma_start3A_373 = arith.constant 0 : i32
    %dma_start3A_374 = tpu.memref_slice %arg9[%dma_start3A_372, %dma_start3A_373] : memref<256x65xf32, #tpu.memory_space<vmem_shared>> -> memref<256x65xf32, #tpu.memory_space<vmem_shared>>
    tpu.enqueue_indirect_dma source(%dma_start3A_368 : memref<128x65xf32, #tpu.memory_space<vmem>>) target(%dma_start3A_374 : memref<256x65xf32, #tpu.memory_space<vmem_shared>>) offsets(%dma_start3A_371 : memref<128xi32, #tpu.memory_space<vmem>>) semaphore(%arg11 : memref<!tpu.dma_semaphore, #tpu.memory_space<semaphore_mem>>) {add = true}
    %dma_wait3A_375 = arith.constant 14 : i32
    %dma_wait3A_376 = arith.constant 0 : i32
    %dma_wait3A_377 = arith.constant 0 : i32
    %dma_wait3A_378 = tpu.memref_slice %arg7[%dma_wait3A_376, %dma_wait3A_377] : memref<256x65xf32, #tpu.memory_space<vmem>> -> memref<128x65xf32, #tpu.memory_space<vmem>>
    %dma_wait3A_379 = arith.constant 0 : i32
    %dma_wait3A_380 = tpu.memref_slice %arg8[%dma_wait3A_375, %dma_wait3A_379] : memref<16x128xi32, #tpu.memory_space<vmem>> -> memref<1x128xi32, #tpu.memory_space<vmem>>
    %dma_wait3A_381 = tpu.memref_squeeze %dma_wait3A_380 : memref<1x128xi32, #tpu.memory_space<vmem>> -> memref<128xi32, #tpu.memory_space<vmem>>
    %dma_wait3A_382 = arith.constant 0 : i32
    %dma_wait3A_383 = arith.constant 0 : i32
    %dma_wait3A_384 = tpu.memref_slice %arg9[%dma_wait3A_382, %dma_wait3A_383] : memref<256x65xf32, #tpu.memory_space<vmem_shared>> -> memref<256x65xf32, #tpu.memory_space<vmem_shared>>
    tpu.wait_indirect_dma semaphore(%arg11 : memref<!tpu.dma_semaphore, #tpu.memory_space<semaphore_mem>>) src(%dma_wait3A_378 : memref<128x65xf32, #tpu.memory_space<vmem>>) dst(%dma_wait3A_384 : memref<256x65xf32, #tpu.memory_space<vmem_shared>>)
    %dma_wait3A_385 = arith.constant 15 : i32
    %dma_wait3A_386 = arith.constant 128 : i32
    %dma_wait3A_387 = arith.constant 0 : i32
    %dma_wait3A_388 = tpu.memref_slice %arg7[%dma_wait3A_386, %dma_wait3A_387] : memref<256x65xf32, #tpu.memory_space<vmem>> -> memref<128x65xf32, #tpu.memory_space<vmem>>
    %dma_wait3A_389 = arith.constant 0 : i32
    %dma_wait3A_390 = tpu.memref_slice %arg8[%dma_wait3A_385, %dma_wait3A_389] : memref<16x128xi32, #tpu.memory_space<vmem>> -> memref<1x128xi32, #tpu.memory_space<vmem>>
    %dma_wait3A_391 = tpu.memref_squeeze %dma_wait3A_390 : memref<1x128xi32, #tpu.memory_space<vmem>> -> memref<128xi32, #tpu.memory_space<vmem>>
    %dma_wait3A_392 = arith.constant 0 : i32
    %dma_wait3A_393 = arith.constant 0 : i32
    %dma_wait3A_394 = tpu.memref_slice %arg9[%dma_wait3A_392, %dma_wait3A_393] : memref<256x65xf32, #tpu.memory_space<vmem_shared>> -> memref<256x65xf32, #tpu.memory_space<vmem_shared>>
    tpu.wait_indirect_dma semaphore(%arg11 : memref<!tpu.dma_semaphore, #tpu.memory_space<semaphore_mem>>) src(%dma_wait3A_388 : memref<128x65xf32, #tpu.memory_space<vmem>>) dst(%dma_wait3A_394 : memref<256x65xf32, #tpu.memory_space<vmem_shared>>)
    %barrier3A_395 = arith.constant 0 : index
    tpu.barrier barrier_id(%barrier3A_395)
    %eq3A_396 = arith.constant 0 : i32
    %eq3A_397 = arith.cmpi eq, %arg1, %eq3A_396 : i32
    %convert_element_type3A_398 = arith.extui %eq3A_397 : i1 to i32
    %cond3A_399 = arith.constant 0 : i32
    %cond3A_400 = arith.cmpi ne, %convert_element_type3A_398, %cond3A_399 : i32
    scf.if %cond3A_400 {
      "tpu.region"() ({
        %run_scoped3A = tpu.sem_alloc : memref<!tpu.dma_semaphore, #tpu.memory_space<semaphore_mem>>
        %dma_start3A_401 = arith.constant 0 : i32
        %dma_start3A_402 = arith.constant 0 : i32
        %dma_start3A_403 = tpu.memref_slice %arg5[%arg0, %dma_start3A_401, %dma_start3A_402] : memref<2x256x65xf32, #tpu.memory_space<hbm>> -> memref<1x256x65xf32, #tpu.memory_space<hbm>>
        %dma_start3A_404 = tpu.memref_squeeze %dma_start3A_403 : memref<1x256x65xf32, #tpu.memory_space<hbm>> -> memref<256x65xf32, #tpu.memory_space<hbm>>
        tpu.enqueue_dma source(%arg9 : memref<256x65xf32, #tpu.memory_space<vmem_shared>>) target(%dma_start3A_404 : memref<256x65xf32, #tpu.memory_space<hbm>>) target_semaphore(%run_scoped3A : memref<!tpu.dma_semaphore, #tpu.memory_space<semaphore_mem>>)
        %dma_wait3A_405 = arith.constant 0 : i32
        %dma_wait3A_406 = arith.constant 0 : i32
        %dma_wait3A_407 = tpu.memref_slice %arg5[%arg0, %dma_wait3A_405, %dma_wait3A_406] : memref<2x256x65xf32, #tpu.memory_space<hbm>> -> memref<1x256x65xf32, #tpu.memory_space<hbm>>
        %dma_wait3A_408 = tpu.memref_squeeze %dma_wait3A_407 : memref<1x256x65xf32, #tpu.memory_space<hbm>> -> memref<256x65xf32, #tpu.memory_space<hbm>>
        tpu.wait_dma2 semaphore(%run_scoped3A : memref<!tpu.dma_semaphore, #tpu.memory_space<semaphore_mem>>) src(%arg9 : memref<256x65xf32, #tpu.memory_space<vmem_shared>>) dst(%dma_wait3A_408 : memref<256x65xf32, #tpu.memory_space<hbm>>)
        tpu.yield
      }) : () -> ()
    } else {
    }
    return
  }
}

module attributes {stable_mosaic.version = 14 : i64} {
  func.func @_front_body(%arg0: i32, %arg1: memref<2x4096x128xf32, #tpu.memory_space<vmem>>, %arg2: memref<128x64xf32, #tpu.memory_space<vmem>>, %arg3: memref<1x64xf32, #tpu.memory_space<vmem>>, %arg4: memref<64x64xf32, #tpu.memory_space<vmem>>, %arg5: memref<1x64xf32, #tpu.memory_space<vmem>>, %arg6: memref<16x64xf32, #tpu.memory_space<vmem>>, %arg7: memref<2x1x4096xi32, #tpu.memory_space<vmem>>, %arg8: memref<2x1x4096xi32, #tpu.memory_space<vmem>>, %arg9: memref<8192x65xf32, #tpu.memory_space<vmem>>) attributes {dimension_semantics = [#tpu.dimension_semantics<arbitrary>], iteration_bounds = array<i64: 8>, scalar_prefetch = 0 : i64, scratch_operands = 0 : i64, tpu.core_type = #tpu.core_type<tc>, window_params = [{transform_indices = @transform_0, window_bounds = array<i64: 2, 4096, 128>}, {pipeline_mode = #tpu.pipeline_mode<synchronous>, transform_indices = @transform_1, window_bounds = array<i64: 128, 64>}, {pipeline_mode = #tpu.pipeline_mode<synchronous>, transform_indices = @transform_2, window_bounds = array<i64: 1, 64>}, {pipeline_mode = #tpu.pipeline_mode<synchronous>, transform_indices = @transform_3, window_bounds = array<i64: 64, 64>}, {pipeline_mode = #tpu.pipeline_mode<synchronous>, transform_indices = @transform_4, window_bounds = array<i64: 1, 64>}, {pipeline_mode = #tpu.pipeline_mode<synchronous>, transform_indices = @transform_5, window_bounds = array<i64: 16, 64>}, {transform_indices = @transform_6, window_bounds = array<i64: 2, 1, 4096>}, {transform_indices = @transform_7, window_bounds = array<i64: 2, 1, 4096>}, {transform_indices = @transform_8, window_bounds = array<i64: 8192, 65>}]} {
    %get3A = arith.constant 0 : index
    %get3A_0 = arith.constant 0 : index
    %get3A_1 = vector.load %arg6[%get3A, %get3A_0] : memref<16x64xf32, #tpu.memory_space<vmem>>, vector<16x64xf32>
    %mul3A = arith.mulf %get3A_1, %get3A_1 : vector<16x64xf32>
    %reduce_sum3A = arith.constant dense<0.000000e+00> : vector<16xf32>
    %reduce_sum3A_2 = vector.multi_reduction <add>, %mul3A, %reduce_sum3A [1] : vector<16x64xf32> to vector<16xf32>
    %broadcast_in_dim3A = vector.shape_cast %reduce_sum3A_2 : vector<16xf32> to vector<16x1xf32>
    %get3A_3 = arith.constant 0 : index
    %get3A_4 = arith.constant 0 : index
    %get3A_5 = arith.constant 0 : index
    %get3A_6 = vector.load %arg1[%get3A_3, %get3A_4, %get3A_5] : memref<2x4096x128xf32, #tpu.memory_space<vmem>>, vector<2x4096x128xf32>
    %reshape3A = vector.shape_cast %get3A_6 : vector<2x4096x128xf32> to vector<8192x128xf32>
    %get3A_7 = arith.constant 0 : index
    %get3A_8 = arith.constant 0 : index
    %get3A_9 = vector.load %arg2[%get3A_7, %get3A_8] : memref<128x64xf32, #tpu.memory_space<vmem>>, vector<128x64xf32>
    %dot_general3A = arith.constant dense<0.000000e+00> : vector<8192x64xf32>
    %dot_general3A_10 = tpu.matmul %reshape3A, %get3A_9, %dot_general3A {dimension_numbers = #tpu.dot_dimension_numbers<[1], [0], [0], [1], [0, 0, 1, 1], [], []>, transpose_lhs_hint = false} : vector<8192x128xf32>, vector<128x64xf32>, vector<8192x64xf32> -> vector<8192x64xf32>
    %get3A_11 = arith.constant 0 : index
    %get3A_12 = arith.constant 0 : index
    %get3A_13 = vector.load %arg3[%get3A_11, %get3A_12] : memref<1x64xf32, #tpu.memory_space<vmem>>, vector<1x64xf32>
    %add3A = vector.broadcast %get3A_13 : vector<1x64xf32> to vector<8192x64xf32>
    %add3A_14 = arith.addf %dot_general3A_10, %add3A : vector<8192x64xf32>
    %mul3A_15 = arith.constant 0.00999999977 : f32
    %mul3A_16 = vector.broadcast %mul3A_15 : f32 to vector<8192x64xf32>
    %mul3A_17 = arith.mulf %mul3A_16, %add3A_14 : vector<8192x64xf32>
    %max3A = arith.maximumf %add3A_14, %mul3A_17 : vector<8192x64xf32>
    %get3A_18 = arith.constant 0 : index
    %get3A_19 = arith.constant 0 : index
    %get3A_20 = vector.load %arg4[%get3A_18, %get3A_19] : memref<64x64xf32, #tpu.memory_space<vmem>>, vector<64x64xf32>
    %dot_general3A_21 = arith.constant dense<0.000000e+00> : vector<8192x64xf32>
    %dot_general3A_22 = tpu.matmul %max3A, %get3A_20, %dot_general3A_21 {dimension_numbers = #tpu.dot_dimension_numbers<[1], [0], [0], [1], [0, 0, 1, 1], [], []>, transpose_lhs_hint = false} : vector<8192x64xf32>, vector<64x64xf32>, vector<8192x64xf32> -> vector<8192x64xf32>
    %get3A_23 = arith.constant 0 : index
    %get3A_24 = arith.constant 0 : index
    %get3A_25 = vector.load %arg5[%get3A_23, %get3A_24] : memref<1x64xf32, #tpu.memory_space<vmem>>, vector<1x64xf32>
    %add3A_26 = vector.broadcast %get3A_25 : vector<1x64xf32> to vector<8192x64xf32>
    %add3A_27 = arith.addf %dot_general3A_22, %add3A_26 : vector<8192x64xf32>
    %mul3A_28 = arith.constant -2.000000e+00 : f32
    %mul3A_29 = vector.broadcast %mul3A_28 : f32 to vector<16x64xf32>
    %mul3A_30 = arith.mulf %mul3A_29, %get3A_1 : vector<16x64xf32>
    %dot_general3A_31 = arith.constant dense<0.000000e+00> : vector<16x8192xf32>
    %dot_general3A_32 = tpu.matmul %mul3A_30, %add3A_27, %dot_general3A_31 {dimension_numbers = #tpu.dot_dimension_numbers<[1], [1], [0], [0], [0, 0, 1, 0], [], []>, transpose_lhs_hint = false} : vector<16x64xf32>, vector<8192x64xf32>, vector<16x8192xf32> -> vector<16x8192xf32>
    %add3A_33 = vector.broadcast %broadcast_in_dim3A : vector<16x1xf32> to vector<16x8192xf32>
    %add3A_34 = arith.addf %add3A_33, %dot_general3A_32 : vector<16x8192xf32>
    %reduce_min3A = arith.constant dense<0x7F800000> : vector<8192xf32>
    %reduce_min3A_35 = vector.multi_reduction <minimumf>, %add3A_34, %reduce_min3A [0] : vector<16x8192xf32> to vector<8192xf32>
    %broadcast_in_dim3A_36 = vector.shape_cast %reduce_min3A_35 : vector<8192xf32> to vector<1x8192xf32>
    %iota3A = tpu.iota {dimensions = array<i32: 0>} : vector<16x8192xi32>
    %eq3A = vector.broadcast %broadcast_in_dim3A_36 : vector<1x8192xf32> to vector<16x8192xf32>
    %eq3A_37 = arith.cmpf oeq, %add3A_34, %eq3A : vector<16x8192xf32>
    %jit3A = arith.constant 16 : i32
    %broadcast_in_dim3A_38 = vector.broadcast %jit3A : i32 to vector<16x8192xi32>
    %select_n3A = arith.select %eq3A_37, %iota3A, %broadcast_in_dim3A_38 : vector<16x8192xi1>, vector<16x8192xi32>
    %reduce_min3A_39 = arith.constant dense<2147483647> : vector<8192xi32>
    %reduce_min3A_40 = vector.multi_reduction <minsi>, %select_n3A, %reduce_min3A_39 [0] : vector<16x8192xi32> to vector<8192xi32>
    %broadcast_in_dim3A_41 = vector.shape_cast %reduce_min3A_40 : vector<8192xi32> to vector<1x8192xi32>
    %swap3A = arith.constant 0 : index
    %swap3A_42 = arith.constant 0 : index
    %swap3A_43 = vector.load %arg9[%swap3A, %swap3A_42] : memref<8192x65xf32, #tpu.memory_space<vmem>>, vector<8192x64xf32>
    tpu.vector_store %arg9[%swap3A, %swap3A_42], %add3A_27 {strides = array<i32>} : memref<8192x65xf32, #tpu.memory_space<vmem>>, vector<8192x64xf32>,
    %broadcast_in_dim3A_44 = arith.constant 1.000000e+00 : f32
    %broadcast_in_dim3A_45 = vector.broadcast %broadcast_in_dim3A_44 : f32 to vector<8192x1xf32>
    %swap3A_46 = arith.constant 0 : index
    %swap3A_47 = arith.constant 64 : index
    %swap3A_48 = vector.load %arg9[%swap3A_46, %swap3A_47] : memref<8192x65xf32, #tpu.memory_space<vmem>>, vector<8192x1xf32>
    tpu.vector_store %arg9[%swap3A_46, %swap3A_47], %broadcast_in_dim3A_45 {strides = array<i32>} : memref<8192x65xf32, #tpu.memory_space<vmem>>, vector<8192x1xf32>,
    %slice3A = vector.extract_strided_slice %broadcast_in_dim3A_41 {offsets = [0, 0], sizes = [1, 4096], strides = [1, 1]} : vector<1x8192xi32> to vector<1x4096xi32>
    %swap3A_49 = arith.constant 0 : index
    %swap3A_50 = arith.constant 0 : index
    %swap3A_51 = arith.constant 0 : index
    %swap3A_52 = vector.load %arg7[%swap3A_49, %swap3A_50, %swap3A_51] : memref<2x1x4096xi32, #tpu.memory_space<vmem>>, vector<1x1x4096xi32>
    %swap3A_53 = vector.shape_cast %swap3A_52 : vector<1x1x4096xi32> to vector<1x4096xi32>
    %swap3A_54 = vector.shape_cast %slice3A : vector<1x4096xi32> to vector<1x1x4096xi32>
    tpu.vector_store %arg7[%swap3A_49, %swap3A_50, %swap3A_51], %swap3A_54 {strides = array<i32>} : memref<2x1x4096xi32, #tpu.memory_space<vmem>>, vector<1x1x4096xi32>,
    %mul3A_55 = arith.constant 2 : i32
    %mul3A_56 = arith.muli %arg0, %mul3A_55 : i32
    %add3A_57 = arith.constant 0 : i32
    %add3A_58 = arith.addi %mul3A_56, %add3A_57 : i32
    %mul3A_59 = arith.constant 16 : i32
    %mul3A_60 = arith.muli %add3A_58, %mul3A_59 : i32
    %add3A_61 = vector.broadcast %mul3A_60 : i32 to vector<1x4096xi32>
    %add3A_62 = arith.addi %slice3A, %add3A_61 : vector<1x4096xi32>
    %swap3A_63 = arith.constant 0 : index
    %swap3A_64 = arith.constant 0 : index
    %swap3A_65 = arith.constant 0 : index
    %swap3A_66 = vector.load %arg8[%swap3A_63, %swap3A_64, %swap3A_65] : memref<2x1x4096xi32, #tpu.memory_space<vmem>>, vector<1x1x4096xi32>
    %swap3A_67 = vector.shape_cast %swap3A_66 : vector<1x1x4096xi32> to vector<1x4096xi32>
    %swap3A_68 = vector.shape_cast %add3A_62 : vector<1x4096xi32> to vector<1x1x4096xi32>
    tpu.vector_store %arg8[%swap3A_63, %swap3A_64, %swap3A_65], %swap3A_68 {strides = array<i32>} : memref<2x1x4096xi32, #tpu.memory_space<vmem>>, vector<1x1x4096xi32>,
    %slice3A_69 = vector.extract_strided_slice %broadcast_in_dim3A_41 {offsets = [0, 4096], sizes = [1, 4096], strides = [1, 1]} : vector<1x8192xi32> to vector<1x4096xi32>
    %swap3A_70 = arith.constant 1 : index
    %swap3A_71 = arith.constant 0 : index
    %swap3A_72 = arith.constant 0 : index
    %swap3A_73 = vector.load %arg7[%swap3A_70, %swap3A_71, %swap3A_72] : memref<2x1x4096xi32, #tpu.memory_space<vmem>>, vector<1x1x4096xi32>
    %swap3A_74 = vector.shape_cast %swap3A_73 : vector<1x1x4096xi32> to vector<1x4096xi32>
    %swap3A_75 = vector.shape_cast %slice3A_69 : vector<1x4096xi32> to vector<1x1x4096xi32>
    tpu.vector_store %arg7[%swap3A_70, %swap3A_71, %swap3A_72], %swap3A_75 {strides = array<i32>} : memref<2x1x4096xi32, #tpu.memory_space<vmem>>, vector<1x1x4096xi32>,
    %mul3A_76 = arith.constant 2 : i32
    %mul3A_77 = arith.muli %arg0, %mul3A_76 : i32
    %add3A_78 = arith.constant 1 : i32
    %add3A_79 = arith.addi %mul3A_77, %add3A_78 : i32
    %mul3A_80 = arith.constant 16 : i32
    %mul3A_81 = arith.muli %add3A_79, %mul3A_80 : i32
    %add3A_82 = vector.broadcast %mul3A_81 : i32 to vector<1x4096xi32>
    %add3A_83 = arith.addi %slice3A_69, %add3A_82 : vector<1x4096xi32>
    %swap3A_84 = arith.constant 1 : index
    %swap3A_85 = arith.constant 0 : index
    %swap3A_86 = arith.constant 0 : index
    %swap3A_87 = vector.load %arg8[%swap3A_84, %swap3A_85, %swap3A_86] : memref<2x1x4096xi32, #tpu.memory_space<vmem>>, vector<1x1x4096xi32>
    %swap3A_88 = vector.shape_cast %swap3A_87 : vector<1x1x4096xi32> to vector<1x4096xi32>
    %swap3A_89 = vector.shape_cast %add3A_83 : vector<1x4096xi32> to vector<1x1x4096xi32>
    tpu.vector_store %arg8[%swap3A_84, %swap3A_85, %swap3A_86], %swap3A_89 {strides = array<i32>} : memref<2x1x4096xi32, #tpu.memory_space<vmem>>, vector<1x1x4096xi32>,
    return
  }
  func.func @transform_0(%arg0: i32) -> (i32, i32, i32) {
    %c0_i32 = arith.constant 0 : i32
    %c0_i32_0 = arith.constant 0 : i32
    %c0_i32_1 = arith.constant 0 : i32
    return %arg0, %c0_i32, %c0_i32_0 : i32, i32, i32
  }
  func.func @transform_1(%arg0: i32) -> (i32, i32) {
    %c0_i32 = arith.constant 0 : i32
    %c0_i32_0 = arith.constant 0 : i32
    %c0_i32_1 = arith.constant 0 : i32
    return %c0_i32, %c0_i32_0 : i32, i32
  }
  func.func @transform_2(%arg0: i32) -> (i32, i32) {
    %c0_i32 = arith.constant 0 : i32
    %c0_i32_0 = arith.constant 0 : i32
    %c0_i32_1 = arith.constant 0 : i32
    return %c0_i32, %c0_i32_0 : i32, i32
  }
  func.func @transform_3(%arg0: i32) -> (i32, i32) {
    %c0_i32 = arith.constant 0 : i32
    %c0_i32_0 = arith.constant 0 : i32
    %c0_i32_1 = arith.constant 0 : i32
    return %c0_i32, %c0_i32_0 : i32, i32
  }
  func.func @transform_4(%arg0: i32) -> (i32, i32) {
    %c0_i32 = arith.constant 0 : i32
    %c0_i32_0 = arith.constant 0 : i32
    %c0_i32_1 = arith.constant 0 : i32
    return %c0_i32, %c0_i32_0 : i32, i32
  }
  func.func @transform_5(%arg0: i32) -> (i32, i32) {
    %c0_i32 = arith.constant 0 : i32
    %c0_i32_0 = arith.constant 0 : i32
    %c0_i32_1 = arith.constant 0 : i32
    return %c0_i32, %c0_i32_0 : i32, i32
  }
  func.func @transform_6(%arg0: i32) -> (i32, i32, i32) {
    %c0_i32 = arith.constant 0 : i32
    %c0_i32_0 = arith.constant 0 : i32
    %c0_i32_1 = arith.constant 0 : i32
    return %arg0, %c0_i32, %c0_i32_0 : i32, i32, i32
  }
  func.func @transform_7(%arg0: i32) -> (i32, i32, i32) {
    %c0_i32 = arith.constant 0 : i32
    %c0_i32_0 = arith.constant 0 : i32
    %c0_i32_1 = arith.constant 0 : i32
    return %arg0, %c0_i32, %c0_i32_0 : i32, i32, i32
  }
  func.func @transform_8(%arg0: i32) -> (i32, i32) {
    %c0_i32 = arith.constant 0 : i32
    %c0_i32_0 = arith.constant 0 : i32
    return %arg0, %c0_i32 : i32, i32
  }
}

module attributes {stable_mosaic.version = 14 : i64} {
  func.func @_tail_body(%arg0: memref<2x256x65xf32, #tpu.memory_space<vmem>>, %arg1: memref<64x64xf32, #tpu.memory_space<vmem>>, %arg2: memref<1x64xf32, #tpu.memory_space<vmem>>, %arg3: memref<64x64xf32, #tpu.memory_space<vmem>>, %arg4: memref<1x64xf32, #tpu.memory_space<vmem>>, %arg5: memref<64x64xf32, #tpu.memory_space<vmem>>, %arg6: memref<1x64xf32, #tpu.memory_space<vmem>>, %arg7: memref<64x32xf32, #tpu.memory_space<vmem>>, %arg8: memref<1x32xf32, #tpu.memory_space<vmem>>, %arg9: memref<16x32xf32, #tpu.memory_space<vmem>>) attributes {dimension_semantics = [], scalar_prefetch = 0 : i64, scratch_operands = 0 : i64, tpu.core_type = #tpu.core_type<tc>} {
    %get3A = arith.constant 0 : index
    %get3A_0 = arith.constant 0 : index
    %get3A_1 = arith.constant 0 : index
    %get3A_2 = vector.load %arg0[%get3A, %get3A_0, %get3A_1] : memref<2x256x65xf32, #tpu.memory_space<vmem>>, vector<1x256x65xf32>
    %get3A_3 = vector.shape_cast %get3A_2 : vector<1x256x65xf32> to vector<256x65xf32>
    %get3A_4 = arith.constant 1 : index
    %get3A_5 = arith.constant 0 : index
    %get3A_6 = arith.constant 0 : index
    %get3A_7 = vector.load %arg0[%get3A_4, %get3A_5, %get3A_6] : memref<2x256x65xf32, #tpu.memory_space<vmem>>, vector<1x256x65xf32>
    %get3A_8 = vector.shape_cast %get3A_7 : vector<1x256x65xf32> to vector<256x65xf32>
    %add3A = arith.addf %get3A_3, %get3A_8 : vector<256x65xf32>
    %slice3A = vector.extract_strided_slice %add3A {offsets = [0, 0], sizes = [256, 64], strides = [1, 1]} : vector<256x65xf32> to vector<256x64xf32>
    %slice3A_9 = vector.extract_strided_slice %add3A {offsets = [0, 64], sizes = [256, 1], strides = [1, 1]} : vector<256x65xf32> to vector<256x1xf32>
    %div3A = vector.broadcast %slice3A_9 : vector<256x1xf32> to vector<256x64xf32>
    %div3A_10 = arith.divf %slice3A, %div3A : vector<256x64xf32>
    %get3A_11 = arith.constant 0 : index
    %get3A_12 = arith.constant 0 : index
    %get3A_13 = vector.load %arg1[%get3A_11, %get3A_12] : memref<64x64xf32, #tpu.memory_space<vmem>>, vector<64x64xf32>
    %dot_general3A = arith.constant dense<0.000000e+00> : vector<256x64xf32>
    %dot_general3A_14 = tpu.matmul %div3A_10, %get3A_13, %dot_general3A {dimension_numbers = #tpu.dot_dimension_numbers<[1], [0], [0], [1], [0, 0, 1, 1], [], []>, transpose_lhs_hint = false} : vector<256x64xf32>, vector<64x64xf32>, vector<256x64xf32> -> vector<256x64xf32>
    %get3A_15 = arith.constant 0 : index
    %get3A_16 = arith.constant 0 : index
    %get3A_17 = vector.load %arg2[%get3A_15, %get3A_16] : memref<1x64xf32, #tpu.memory_space<vmem>>, vector<1x64xf32>
    %add3A_18 = vector.broadcast %get3A_17 : vector<1x64xf32> to vector<256x64xf32>
    %add3A_19 = arith.addf %dot_general3A_14, %add3A_18 : vector<256x64xf32>
    %mul3A = arith.constant 0.00999999977 : f32
    %mul3A_20 = vector.broadcast %mul3A : f32 to vector<256x64xf32>
    %mul3A_21 = arith.mulf %mul3A_20, %add3A_19 : vector<256x64xf32>
    %max3A = arith.maximumf %add3A_19, %mul3A_21 : vector<256x64xf32>
    %get3A_22 = arith.constant 0 : index
    %get3A_23 = arith.constant 0 : index
    %get3A_24 = vector.load %arg3[%get3A_22, %get3A_23] : memref<64x64xf32, #tpu.memory_space<vmem>>, vector<64x64xf32>
    %dot_general3A_25 = arith.constant dense<0.000000e+00> : vector<256x64xf32>
    %dot_general3A_26 = tpu.matmul %max3A, %get3A_24, %dot_general3A_25 {dimension_numbers = #tpu.dot_dimension_numbers<[1], [0], [0], [1], [0, 0, 1, 1], [], []>, transpose_lhs_hint = false} : vector<256x64xf32>, vector<64x64xf32>, vector<256x64xf32> -> vector<256x64xf32>
    %get3A_27 = arith.constant 0 : index
    %get3A_28 = arith.constant 0 : index
    %get3A_29 = vector.load %arg4[%get3A_27, %get3A_28] : memref<1x64xf32, #tpu.memory_space<vmem>>, vector<1x64xf32>
    %add3A_30 = vector.broadcast %get3A_29 : vector<1x64xf32> to vector<256x64xf32>
    %add3A_31 = arith.addf %dot_general3A_26, %add3A_30 : vector<256x64xf32>
    %gt3A = arith.constant 0.000000e+00 : f32
    %gt3A_32 = vector.broadcast %gt3A : f32 to vector<256x1xf32>
    %gt3A_33 = arith.cmpf ogt, %slice3A_9, %gt3A_32 : vector<256x1xf32>
    %jit3A = arith.constant 0.000000e+00 : f32
    %broadcast_in_dim3A = vector.shape_cast %gt3A_33 : vector<256x1xi1> to vector<256x1xi1>
    %broadcast_in_dim3A_34 = vector.broadcast %broadcast_in_dim3A : vector<256x1xi1> to vector<256x64xi1>
    %broadcast_in_dim3A_35 = vector.broadcast %jit3A : f32 to vector<256x64xf32>
    %select_n3A = arith.select %broadcast_in_dim3A_34, %add3A_31, %broadcast_in_dim3A_35 : vector<256x64xi1>, vector<256x64xf32>
    %iota3A = tpu.iota {dimensions = array<i32: 1>} : vector<16x256xi32>
    %jit3A_36 = arith.constant 16 : i32
    %div3A_37 = vector.broadcast %jit3A_36 : i32 to vector<16x256xi32>
    %div3A_38 = arith.divsi %iota3A, %div3A_37 : vector<16x256xi32>
    %sign3A = arith.constant 0 : i32
    %sign3A_39 = vector.broadcast %sign3A : i32 to vector<16x256xi32>
    %sign3A_40 = arith.cmpi sgt, %iota3A, %sign3A_39 : vector<16x256xi32>
    %sign3A_41 = arith.extui %sign3A_40 : vector<16x256xi1> to vector<16x256xi32>
    %sign3A_42 = arith.constant 0 : i32
    %sign3A_43 = vector.broadcast %sign3A_42 : i32 to vector<16x256xi32>
    %sign3A_44 = arith.cmpi slt, %iota3A, %sign3A_43 : vector<16x256xi32>
    %sign3A_45 = arith.extui %sign3A_44 : vector<16x256xi1> to vector<16x256xi32>
    %sign3A_46 = arith.subi %sign3A_41, %sign3A_45 : vector<16x256xi32>
    %sign3A_47 = arith.constant 0 : i32
    %sign3A_48 = arith.cmpi sgt, %jit3A_36, %sign3A_47 : i32
    %sign3A_49 = arith.extui %sign3A_48 : i1 to i32
    %sign3A_50 = arith.constant 0 : i32
    %sign3A_51 = arith.cmpi slt, %jit3A_36, %sign3A_50 : i32
    %sign3A_52 = arith.extui %sign3A_51 : i1 to i32
    %sign3A_53 = arith.subi %sign3A_49, %sign3A_52 : i32
    %ne3A = vector.broadcast %sign3A_53 : i32 to vector<16x256xi32>
    %ne3A_54 = arith.cmpi ne, %sign3A_46, %ne3A : vector<16x256xi32>
    %rem3A = vector.broadcast %jit3A_36 : i32 to vector<16x256xi32>
    %rem3A_55 = arith.remsi %iota3A, %rem3A : vector<16x256xi32>
    %ne3A_56 = arith.constant 0 : i32
    %ne3A_57 = vector.broadcast %ne3A_56 : i32 to vector<16x256xi32>
    %ne3A_58 = arith.cmpi ne, %rem3A_55, %ne3A_57 : vector<16x256xi32>
    %and3A = arith.andi %ne3A_54, %ne3A_58 : vector<16x256xi1>
    %sub3A = arith.constant 1 : i32
    %sub3A_59 = vector.broadcast %sub3A : i32 to vector<16x256xi32>
    %sub3A_60 = arith.subi %div3A_38, %sub3A_59 : vector<16x256xi32>
    %select_n3A_61 = arith.select %and3A, %sub3A_60, %div3A_38 : vector<16x256xi1>, vector<16x256xi32>
    %iota3A_62 = tpu.iota {dimensions = array<i32: 0>} : vector<16x256xi32>
    %eq3A = arith.cmpi eq, %select_n3A_61, %iota3A_62 : vector<16x256xi32>
    %convert_element_type3A = arith.extui %eq3A : vector<16x256xi1> to vector<16x256xi32>
    %convert_element_type3A_63 = arith.sitofp %convert_element_type3A : vector<16x256xi32> to vector<16x256xf32>
    %dot_general3A_64 = arith.constant dense<0.000000e+00> : vector<16x64xf32>
    %dot_general3A_65 = tpu.matmul %convert_element_type3A_63, %select_n3A, %dot_general3A_64 {dimension_numbers = #tpu.dot_dimension_numbers<[1], [0], [0], [1], [0, 0, 1, 1], [], []>, transpose_lhs_hint = false} : vector<16x256xf32>, vector<256x64xf32>, vector<16x64xf32> -> vector<16x64xf32>
    %get3A_66 = arith.constant 0 : index
    %get3A_67 = arith.constant 0 : index
    %get3A_68 = vector.load %arg5[%get3A_66, %get3A_67] : memref<64x64xf32, #tpu.memory_space<vmem>>, vector<64x64xf32>
    %dot_general3A_69 = arith.constant dense<0.000000e+00> : vector<16x64xf32>
    %dot_general3A_70 = tpu.matmul %dot_general3A_65, %get3A_68, %dot_general3A_69 {dimension_numbers = #tpu.dot_dimension_numbers<[1], [0], [0], [1], [0, 0, 1, 1], [], []>, transpose_lhs_hint = false} : vector<16x64xf32>, vector<64x64xf32>, vector<16x64xf32> -> vector<16x64xf32>
    %get3A_71 = arith.constant 0 : index
    %get3A_72 = arith.constant 0 : index
    %get3A_73 = vector.load %arg6[%get3A_71, %get3A_72] : memref<1x64xf32, #tpu.memory_space<vmem>>, vector<1x64xf32>
    %add3A_74 = vector.broadcast %get3A_73 : vector<1x64xf32> to vector<16x64xf32>
    %add3A_75 = arith.addf %dot_general3A_70, %add3A_74 : vector<16x64xf32>
    %mul3A_76 = arith.constant 0.00999999977 : f32
    %mul3A_77 = vector.broadcast %mul3A_76 : f32 to vector<16x64xf32>
    %mul3A_78 = arith.mulf %mul3A_77, %add3A_75 : vector<16x64xf32>
    %max3A_79 = arith.maximumf %add3A_75, %mul3A_78 : vector<16x64xf32>
    %get3A_80 = arith.constant 0 : index
    %get3A_81 = arith.constant 0 : index
    %get3A_82 = vector.load %arg7[%get3A_80, %get3A_81] : memref<64x32xf32, #tpu.memory_space<vmem>>, vector<64x32xf32>
    %dot_general3A_83 = arith.constant dense<0.000000e+00> : vector<16x32xf32>
    %dot_general3A_84 = tpu.matmul %max3A_79, %get3A_82, %dot_general3A_83 {dimension_numbers = #tpu.dot_dimension_numbers<[1], [0], [0], [1], [0, 0, 1, 1], [], []>, transpose_lhs_hint = false} : vector<16x64xf32>, vector<64x32xf32>, vector<16x32xf32> -> vector<16x32xf32>
    %get3A_85 = arith.constant 0 : index
    %get3A_86 = arith.constant 0 : index
    %get3A_87 = vector.load %arg8[%get3A_85, %get3A_86] : memref<1x32xf32, #tpu.memory_space<vmem>>, vector<1x32xf32>
    %add3A_88 = vector.broadcast %get3A_87 : vector<1x32xf32> to vector<16x32xf32>
    %add3A_89 = arith.addf %dot_general3A_84, %add3A_88 : vector<16x32xf32>
    %reduce_max3A = arith.constant dense<0xFF800000> : vector<16xf32>
    %reduce_max3A_90 = vector.multi_reduction <maximumf>, %add3A_89, %reduce_max3A [1] : vector<16x32xf32> to vector<16xf32>
    %broadcast_in_dim3A_91 = vector.shape_cast %reduce_max3A_90 : vector<16xf32> to vector<16x1xf32>
    %sub3A_92 = vector.broadcast %broadcast_in_dim3A_91 : vector<16x1xf32> to vector<16x32xf32>
    %sub3A_93 = arith.subf %add3A_89, %sub3A_92 : vector<16x32xf32>
    %exp3A = math.exp %sub3A_93 : vector<16x32xf32>
    %reduce_sum3A = arith.constant dense<0.000000e+00> : vector<16xf32>
    %reduce_sum3A_94 = vector.multi_reduction <add>, %exp3A, %reduce_sum3A [1] : vector<16x32xf32> to vector<16xf32>
    %broadcast_in_dim3A_95 = vector.shape_cast %reduce_sum3A_94 : vector<16xf32> to vector<16x1xf32>
    %log3A = math.log %broadcast_in_dim3A_95 : vector<16x1xf32>
    %add3A_96 = arith.addf %log3A, %broadcast_in_dim3A_91 : vector<16x1xf32>
    %sub3A_97 = vector.broadcast %add3A_96 : vector<16x1xf32> to vector<16x32xf32>
    %sub3A_98 = arith.subf %add3A_89, %sub3A_97 : vector<16x32xf32>
    %swap3A = arith.constant 0 : index
    %swap3A_99 = arith.constant 0 : index
    %swap3A_100 = vector.load %arg9[%swap3A, %swap3A_99] : memref<16x32xf32, #tpu.memory_space<vmem>>, vector<16x32xf32>
    tpu.vector_store %arg9[%swap3A, %swap3A_99], %sub3A_98 {strides = array<i32>} : memref<16x32xf32, #tpu.memory_space<vmem>>, vector<16x32xf32>,
    return
  }
}

</mosaic_0001>

<sc_bundles>
// kernel: kernel.5.cloned.1.call-start
scs
__scs_entry_jumppad:
0x0: {  	(pc) =	sbr.rel $0x88, $3  }
0x1: {  	(tag) =	ssettag $0x0;
	lr =	simm.s32 $0x1  }
0x2: {  	[smem:$0x3F93] =	sst lr;
	_ =	strace $0xD0000000  }
0x3: {  	_ = 	snop  }
0x4: {  	_ = 	snop  }
0x5: {  	_ = 	snop  }
0x6: {  	_ = 	snop  }
0x7: {  	_ = 	snop  }
__scs_overlays_trampoline_lowered:
0x8: {  	[smem:$0x3FA2] =	sst s0  }
0x9: {  	[smem:$0x3FA3] =	sst s1  }
0xa: {  	[smem:$0x3FA4] =	sst s2  }
0xb: {  	[smem:$0x3FA5] =	sst s3  }
0xc: {  	[smem:$0x3FA6] =	sst s4  }
0xd: {  	[smem:$0x3FA7] =	sst s5  }
0xe: {  	[smem:$0x3FA8] =	sst s6  }
0xf: {  	[smem:$0x3FA9] =	sst s7  }
0x10: {  	[smem:$0x3FAA] =	sst s8  }
0x11: {  	[smem:$0x3FAB] =	sst s9;
	s0 =	simm.s32 @!p0 $0x0  }
0x12: {  	s1 =	sld [smem:$0x3F91];
	s0 =	simm.s32 @p0 $0x1  }
0x13: {  	[smem:$0x3FAC] =	sst s0;
	s0 =	simm.s32 @!p1 $0x0  }
0x14: {  	s2 =	sld [smem:$0x3F90];
	s0 =	simm.s32 @p1 $0x1  }
0x15: {  	[smem:$0x3FAD] =	sst s0;
	s0 =	simm.s32 @!p2 $0x0  }
0x16: {  	s3 =	sld [smem:$0x3FDB];
	s0 =	simm.s32 @p2 $0x1  }
0x17: {  	s4 =	simm.s32 $0x1BF5;
	[smem:$0x3FAF] =	sst s0  }
0x18: {  	s0 =	sld [smem:$0x3F92];
	_ =	swait.ge [sflag:s4], $0x0  }
0x19: {  	s7 =	sld [smem:$0x3F93]  }
0x1a: {  	s8 =	sadd.s32 $0xFFFFE003, lr  }
0x1b: {  	s9 =	sadd.s32 $0xFFFFFEF7, lr;
	s5 =	simm.s32 $0xFFFFFFFF;
	p2 =	slt.u32 s8, $0xFFFFF086  }
0x1c: {  	p1 =	slt.u32 s9, $0xF7A;
	s5 =	simm.s32 @!p2 $0x0  }
0x1d: {  	s5 =	simm.s32 @p1 $0x1;
	p0 =	seq.s32 s7, s2  }
0x1e: {  	s7 =	smul.u32 @!p0 $0xF7A, s2;
	p2 =	seq.s32 @!p0 s5, $0x0  }
0x1f: {  	s9 =	smul.u32 $0xF7A, s1;
	s8 =	simm.s32 @!p0 $0x1BF5;
	p2 =	por !p2, p0  }
0x20: {  	[sflag:s8] =	ssyncset.s32 @!p0 $0xFFFFF086;
	s6 =	sadd.s32 @!p0 s3, s7;
	s7 =	simm.s32 @!p0 $0x108  }
0x21: {  	s3 =	sadd.s32 s3, s9;
	s6 =	sadd.s32 @!p0 $0x88, s6;
	s7 =	simm.s32 @p2 $0x1082  }
0x22: {  	[simem:s7], [sflag:s8] =	dma.local @!p0 [hbm:s6], $0xF7A  }
0x23: {  	s9 =	sor.u32 $0xD0000000, s2;
	s6 =	simm.s32 $0x108;
	_ =	swait.ge @!p0 [sflag:s8], $0x0  }
0x24: {  	s3 =	sadd.s32 $0x88, s3;
	s6 =	simm.s32 @!p1 $0x1082;
	[sflag:s4] =	ssyncset.s32 $0xFFFFF086  }
0x25: {  	[simem:s6], [sflag:s4] =	dma.local [hbm:s3], $0xF7A  }
0x26: {  	[smem:$0x3F93] =	sst s1;
	(tag) =	ssettag s2;
	_ =	strace s9  }
0x27: {  	s1 =	sld [smem:$0x3FA3]  }
0x28: {  	s2 =	sld [smem:$0x3FA4]  }
0x29: {  	s4 =	sld [smem:$0x3FA6]  }
0x2a: {  	p0 =	seq.s32 s5, $0x0;
	s5 =	sld [smem:$0x3FA7]  }
0x2b: {  	s6 =	sld [smem:$0x3FA8]  }
0x2c: {  	s7 =	sld [smem:$0x3FA9]  }
0x2d: {  	s3 =	simm.s32 $0x108;
	s8 =	sld [smem:$0x3FAA]  }
0x2e: {  	s3 =	simm.s32 @!p0 $0x1082;
	s9 =	sld [smem:$0x3FAB]  }
0x2f: {  	lr =	sadd.s32 s0, s3;
	s0 =	sld [smem:$0x3FA2]  }
0x30: {  	s3 =	sld [smem:$0x3FA5]  }
0x31: {  	[smem:$0x3FAE] =	sst s10  }
0x32: {  	s10 =	sld [smem:$0x3FAC];
	_ =	sdelay $0x3  }
0x33: {  	p0 =	seq.s32 s10, $0x1;
	s10 =	sld [smem:$0x3FAE];
	_ =	sdelay $0x3  }
0x34: {  	[smem:$0x3FAE] =	sst s10  }
0x35: {  	s10 =	sld [smem:$0x3FAD];
	_ =	sdelay $0x3  }
0x36: {  	p1 =	seq.s32 s10, $0x1;
	s10 =	sld [smem:$0x3FAE];
	_ =	sdelay $0x3  }
0x37: {  	[smem:$0x3FAE] =	sst s10  }
0x38: {  	s10 =	sld [smem:$0x3FAF]  }
0x39: {  	_ = 	snop;
	(pc) =	sbr.ind lr, $3  }
0x3a: {  	_ = 	snop  }
0x3b: {  	_ = 	snop  }
0x3c: {  	p2 =	seq.s32 s10, $0x1;
	s10 =	sld [smem:$0x3FAE]  }
0x3d: {  	_ =	shalt  }
0x3e: {  	_ =	shalt  }
0x3f: {  	_ =	shalt  }
0x40: {  	_ =	shalt  }
0x41: {  	_ =	shalt  }
0x42: {  	_ =	shalt  }
0x43: {  	_ =	shalt  }
0x44: {  	_ =	shalt  }
0x45: {  	_ =	shalt  }
0x46: {  	_ =	shalt  }
0x47: {  	_ =	shalt  }
0x48: {  	_ =	shalt  }
0x49: {  	_ =	shalt  }
0x4a: {  	_ =	shalt  }
0x4b: {  	_ =	shalt  }
0x4c: {  	_ =	shalt  }
0x4d: {  	_ =	shalt  }
0x4e: {  	_ =	shalt  }
0x4f: {  	_ =	shalt  }
0x50: {  	_ =	shalt  }
0x51: {  	_ =	shalt  }
0x52: {  	_ =	shalt  }
0x53: {  	_ =	shalt  }
0x54: {  	_ =	shalt  }
0x55: {  	_ =	shalt  }
0x56: {  	_ =	shalt  }
0x57: {  	_ =	shalt  }
0x58: {  	_ =	shalt  }
0x59: {  	_ =	shalt  }
0x5a: {  	_ =	shalt  }
0x5b: {  	_ =	shalt  }
0x5c: {  	_ =	shalt  }
0x5d: {  	_ =	shalt  }
0x5e: {  	_ =	shalt  }
0x5f: {  	_ =	shalt  }
0x60: {  	_ =	shalt  }
0x61: {  	_ =	shalt  }
0x62: {  	_ =	shalt  }
0x63: {  	_ =	shalt  }
0x64: {  	_ =	shalt  }
0x65: {  	_ =	shalt  }
0x66: {  	_ =	shalt  }
0x67: {  	_ =	shalt  }
0x68: {  	_ =	shalt  }
0x69: {  	_ =	shalt  }
0x6a: {  	_ =	shalt  }
0x6b: {  	_ =	shalt  }
0x6c: {  	_ =	shalt  }
0x6d: {  	_ =	shalt  }
0x6e: {  	_ =	shalt  }
0x6f: {  	_ =	shalt  }
0x70: {  	_ =	shalt  }
0x71: {  	_ =	shalt  }
0x72: {  	_ =	shalt  }
0x73: {  	_ =	shalt  }
0x74: {  	_ =	shalt  }
0x75: {  	_ =	shalt  }
0x76: {  	_ =	shalt  }
0x77: {  	_ =	shalt  }
0x78: {  	_ =	shalt  }
0x79: {  	_ =	shalt  }
0x7a: {  	_ =	shalt  }
0x7b: {  	_ =	shalt  }
0x7c: {  	_ =	shalt  }
0x7d: {  	_ =	shalt  }
0x7e: {  	_ =	shalt  }
0x7f: {  	_ =	shalt  }
0x80: {  	_ =	shalt  }
0x81: {  	_ =	shalt  }
0x82: {  	_ =	shalt  }
0x83: {  	_ =	shalt  }
0x84: {  	_ =	shalt  }
0x85: {  	_ =	shalt  }
0x86: {  	_ =	shalt  }
0x87: {  	_ =	shalt  }
.Lfunc_end0:
.L_simem_size_0:
called_computation_lowered:
.L_overlay_start_0:
0x88: {  	s2 =	sld [smem:$0x3FD9]  }
0x89: {  	s3 =	sld [smem:$0x3FFE];
	_ =	sdelay $0x1  }
0x8a: {  	s1 =	srdreg.scid  }
0x8b: {  	s0 =	sand.u32 $0x1, s1  }
0x8c: {  	s16 =	sshll.u32 s0, $0xA;
	s2 =	sadd.s32 s3, s2  }
0x8d: {  	s2 =	sadd.s32 s2, s16  }
0x8e: {  	[smem:$0x3FBA] =	sst s2  }
0x8f: {  	_ = 	snop  }
0x90: {  	(tm) =	ssettm $0x1  }
0x91: {  	s17 =	sld [smem:$0x3FFB];
	_ =	sdelay $0x3  }
0x92: {  	_ =	strace s17  }
0x93: {  	s2 =	sld [smem:$0x3FFC];
	_ =	sdelay $0x3  }
0x94: {  	_ =	strace s2  }
0x95: {  	s2 =	sld [smem:$0x3FFD];
	_ =	sdelay $0x3  }
0x96: {  	_ =	strace s2  }
0x97: {  	_ =	strace $0x8FFFFFFF  }
0x98: {  	s18 =	sld [smem:$0x3FDB];
	_ =	sdelay $0x1  }
0x99: {  	s19 =	simm.s32 $_scs_section_size  }
0x9a: {  	s4 =	simm.s32 $_size__tile_overlayer_lowered;
	s5 =	simm.s32 $_tile_overlayer_lowered  }
0x9b: {  	s22 =	simm.s32 $0x1BFF;
	s21 =	sshll.u32 s5, $0x1;
	s2 =	sadd.s32 s19, s18  }
0x9c: {  	s6 =	simm.s32 $0x0;
	s20 =	sshll.u32 s4, $0x1;
	s4 =	sadd.s32 s21, s2  }
0x9d: {  	[timem:s6], [sflag:s22] =	dma.local [hbm:s4], s20  }
0x9e: {  	_ =	swait.ge [sflag:s22], s20  }
0x9f: {  	s3 =	ssub.s32 $0x0, s20;
	[sflag:s22] =	ssyncset.done $0x0  }
0xa0: {  	[sflag:s22] =	ssyncadd.s32 s3;
	_ =	sdelay $0x1  }
0xa1: {  	s23 =	simm.s32 $0x1B8B  }
0xa2: {  	_ =	swait.ge [sflag:s23], $0x1  }
0xa3: {  	[sflag:s23] =	ssyncset.done $0x0  }
0xa4: {  	s25 =	simm.s32 $0x1B8E;
	s24 =	sld [smem:$0x3FFE];
	[sflag:s23] =	ssyncadd.s32 $0xFFFFFFFF  }
0xa5: {  	s26 =	simm.s32 $execute0_lowered;
	[smem:$0x3FD2] =	sst s25  }
0xa6: {  	s4 =	sshll.u32 s26, $0x1;
	_ =	strace $0x80000046;
	[dreg:$0x1] =	wrdreg $0xFFFFFFFF  }
0xa7: {  	s28 =	simm.s32 $_size_execute0_lowered;
	s2 =	sadd.s32 s2, s4;
	[dreg:$0x0] =	wrdreg $0x0  }
0xa8: {  	s4 =	sshll.u32 s28, $0x1;
	[dreg:$0x2] =	wrdreg s2  }
0xa9: {  	[dreg:$0x3] =	wrdreg s4  }
0xaa: {  	[dreg:$0x4] =	wrdreg $0xC0  }
0xab: {  	_ =	task [dreg:s6], $0x5FFFF  }
0xac: {  	[dreg:$0x1] =	wrdreg $0xFFFFFFFF  }
0xad: {  	[dreg:$0x0] =	wrdreg $0x60  }
0xae: {  	[dreg:$0x2] =	wrdreg s24  }
0xaf: {  	[dreg:$0x3] =	wrdreg $0x108000  }
0xb0: {  	[dreg:$0x4] =	wrdreg $0x9  }
0xb1: {  	_ =	task.clear_ibuf [dreg:s6], $0x5FFFF;
	_ =	strace $0x90000046  }
0xb2: {  	s29 =	simm.s32 $0x9;
	_ =	strace $0x80000048  }
0xb3: {  	_ =	swait.ge [sflag:s29], $0x1  }
0xb4: {  	[sflag:s29] =	ssyncadd.s32 $0xFFFFFFFF  }
0xb5: {  	_ =	strace $0x90000048  }
0xb6: {  	_ =	sfence  }
0xb7: {  	s30 =	sld [smem:$0x0];
	_ =	sdelay $0x2  }
0xb8: {  	s31 =	sshll.u32 s1, $0xD;
	s1 =	sshrl.u32 s1, $0x2  }
0xb9: {  	s3 =	sand.u32 $0x4000, s31;
	s1 =	sadd.s32 s1, s30  }
0xba: {  	s0 =	sor.u32 s3, s0;
	s1 =	sshll.u32 s1, $0x11  }
0xbb: {  	s0 =	sor.u32 s1, s0  }
0xbc: {  	s0 =	sadd.s32 $0x8F2B, s0  }
0xbd: {  	[sflag:s0] =	ssyncadd.remote.s32 $0x1  }
0xbe: {  	_ =	sfence.sel $0xFFFF  }
0xbf: {  	[dreg:$0x0] =	wrdreg $0xFFFFFFFF;
	(pc) =	sbr.abs _section_cstart, $3  }
0xc0: {  	[dreg:$0x1] =	wrdreg $0xFFFFFFFF  }
0xc1: {  	_ =	task.clear_ibuf [dreg:s6], $0x2FFFF;
	_ =	strace $0x9FFFFFFF  }
0xc2: {  	(tm) =	ssettm $0x7FFFFFFF  }
0xc3: {  	_ =	shalt  }
tec
execute0_lowered:
.L_overlay_start_1:
0x0: {  	(tag) =	ssettag $0x1  }
0x1: {  	s0 =	rddreg [dreg:$0x0]  }
0x2: {  	s1 =	rddreg [dreg:$0x1]  }
0x3: {  	s3 =	srdreg.scid;
	s4 =	stileid.u32;
	s2 =	simm.s32 $0x0  }
0x4: {  	s28 =	simm.s32 $0x10080;
	s10 =	simm.s32 $0x4000;
	s8 =	simm.s32 $0x1  }
0x5: {  	s9 =	simm.s32 $0xC000;
	s17 =	simm.s32 $0x10400;
	s15 =	simm.s32 $0x10500  }
0x6: {  	s16 =	simm.s32 $0x10580;
	s13 =	simm.s32 $0x10600;
	p1 =	por $0x0, $0x0  }
0x7: {  	s14 =	simm.s32 $0x10680;
	s11 =	simm.s32 $0x10700;
	s3 =	sand.u32 $0x1, s3  }
0x8: {  	s5 =	sshll.u32 s4, $0x1;
	[smem:$0x7FF] =	sst s2;
	s7 =	sadd.s32 $0x104200, s0  }
0x9: {  	s5 =	sor.u32 s3, s5;
	_ =	strace $0x80000047;
	[dreg:$0x3] =	wrdreg s7  }
0xa: {  	s22 =	sshll.u32 s3, $0xC;
	s3 =	ssub.s32 $0x2, s3;
	s6 =	sshll.u32 s5, $0x8  }
0xb: {  	s5 =	sshll.u32 s5, $0xF;
	s26 =	sshrl.u32 s3, $0x1;
	s6 =	sadd.s32 s6, s0  }
0xc: {  	s5 =	sadd.s32 s5, s0;
	s0 =	sadd.s32 s22, s0;
	s29 =	ssub.s32 s3, s26  }
0xd: {  	s6 =	sadd.s32 $0x102200, s6;
	s3 =	sadd.s32 $0x105200, s0;
	s0 =	rddreg [dreg:$0x3]  }
0xe: {  	s12 =	simm.s32 $0x10780;
	s18 =	sadd.s32 $0x2200, s5;
	[dreg:$0x4] =	wrdreg s6  }
0xf: {  	p0 =	sne.s32 s4, $0x0;
	s19 =	sadd.s32 $0x3200, s5;
	[dreg:$0x5] =	wrdreg s18  }
0x10: {  	s4 =	sshrl.u32 @!p0 s1, $0x3;
	s20 =	sadd.s32 $0x4200, s5;
	[dreg:$0x6] =	wrdreg s19  }
0x11: {  	s7 =	simm.s32 $0x80;
	s21 =	sadd.s32 $0x5200, s5;
	[dreg:$0x7] =	wrdreg s20  }
0x12: {  	s23 =	sadd.s32 $0x6200, s5;
	s30 =	smax.u32 s29, $0x1;
	[dreg:$0x8] =	wrdreg s21  }
0x13: {  	s24 =	sadd.s32 $0x7200, s5;
	[dreg:$0x9] =	wrdreg s23;
	s31 =	sadd.s32 $0xFFFFFFFF, s30  }
0x14: {  	s25 =	sadd.s32 $0x8200, s5;
	[dreg:$0xa] =	wrdreg s24;
	p2 =	sne.s32 s31, $0x0  }
.Ltmp0:
0x15: {  	s5 =	sadd.s32 $0x9200, s5;
	[dreg:$0xb] =	wrdreg s25;
	(pc) =	sbr.rel @!p2 .LBB2_1-.Ltmp0, $4  }
0x16: {  	s26 =	simm.s32 $0x3;
	s22 =	simm.s32 $0x10280;
	[dreg:$0xc] =	wrdreg s5  }
0x17: {  	s25 =	simm.s32 $0x10000;
	s6 =	simm.s32 $0x8000;
	s5 =	simm.s32 $0x2  }
0x18: {  	s23 =	simm.s32 $0x10100;
	s24 =	simm.s32 $0x10180;
	s21 =	simm.s32 $0x10200  }
0x19: {  	s19 =	simm.s32 $0x10300;
	s20 =	simm.s32 $0x10380;
	s18 =	simm.s32 $0x10480  }
0x1a: {  	s30 =	simm.s32 @!p0 $0x1C03;
	s29 =	simm.s32 @!p0 $0x3  }
0x1b: {  	[spmem:s4], [sflag:s30] =	dma.local @!p0 [hbm:s0], $0x1000  }
0x1c: {  	_ =	swait.ge @!p0 [sflag:s29], $0x1000  }
0x1d: {  	[sflag:s29] =	ssyncset.done @!p0 $0x0  }
0x1e: {  	s0 =	rddreg [dreg:$0x4];
	[sflag:s29] =	ssyncadd.s32 @!p0 $0xFFFFF000  }
0x1f: {  	[tilespmem:s25], [sflag:$0x3] =	stream.linear.gather [hbm4b:s0+s2], $0x800, $0x38;
	[tilespmem:$0x10C10] =	vst v63  }
0x20: {  	_ =	swait.ge [sflag:s26], $0x800  }
0x21: {  	[sflag:s26] =	ssyncset.done $0x0  }
0x22: {  	[sflag:s26] =	ssyncadd.s32 $0xFFFFF800  }
0x23: {  	[bflag:$0x0] =	sbarrier.arrive $0xFFFF  }
0x24: {  	s0 =	rddreg [dreg:$0x5]  }
0x25: {  	[tilespmem:s2], [sflag:$0x3] =	stream.linear.gather [hbm4b:s0+s2], $0x8000, $0x38;
	[tilespmem:$0x10C10] =	vst v63  }
0x26: {  	_ =	swait.ge [sflag:s26], $0x8000  }
0x27: {  	[sflag:s26] =	ssyncset.done $0x0  }
0x28: {  	s0 =	rddreg [dreg:$0x6];
	[sflag:s26] =	ssyncadd.s32 $0xFFFF8000  }
0x29: {  	[tilespmem:s6], [sflag:$0x1] =	stream.linear.gather [hbm4b:s0+s2], $0x8000, $0x38;
	[tilespmem:$0x10C10] =	vst v63  }
0x2a: {  	_ = 	snop  }
0x2b: {  	[spmem:s1] =	stream.indirect.scatter.add.f32 [tilespmem:s2], [sflag:$0x2], $0x41, s25, s7, $0xb8;
	[tilespmem:$0x10C10] =	vst v63  }
0x2c: {  	_ = 	snop  }
0x2d: {  	[spmem:s1] =	stream.indirect.scatter.add.f32 [tilespmem:s10], [sflag:$0x2], $0x41, s28, s7, $0xb8;
	[tilespmem:$0x10C10] =	vst v63  }
0x2e: {  	_ =	swait.ge [sflag:s5], $0x2080  }
0x2f: {  	[sflag:s5] =	ssyncset.done $0x0  }
0x30: {  	[sflag:s5] =	ssyncadd.s32 $0xFFFFDF80  }
0x31: {  	_ =	swait.ge [sflag:s5], $0x2080  }
0x32: {  	[sflag:s5] =	ssyncset.done $0x0  }
0x33: {  	s0 =	rddreg [dreg:$0x7];
	[sflag:s5] =	ssyncadd.s32 $0xFFFFDF80  }
0x34: {  	[tilespmem:s2], [sflag:$0x1] =	stream.linear.gather [hbm4b:s0+s2], $0x8000, $0x38;
	[tilespmem:$0x10C10] =	vst v63  }
0x35: {  	_ =	swait.ge [sflag:s8], $0x8000  }
0x36: {  	[sflag:s8] =	ssyncset.done $0x0  }
0x37: {  	[sflag:s8] =	ssyncadd.s32 $0xFFFF8000  }
0x38: {  	[spmem:s1] =	stream.indirect.scatter.add.f32 [tilespmem:s6], [sflag:$0x2], $0x41, s23, s7, $0xb8;
	[tilespmem:$0x10C10] =	vst v63  }
0x39: {  	_ = 	snop  }
0x3a: {  	[spmem:s1] =	stream.indirect.scatter.add.f32 [tilespmem:s9], [sflag:$0x2], $0x41, s24, s7, $0xb8;
	[tilespmem:$0x10C10] =	vst v63  }
0x3b: {  	_ =	swait.ge [sflag:s5], $0x2080  }
0x3c: {  	[sflag:s5] =	ssyncset.done $0x0  }
0x3d: {  	[sflag:s5] =	ssyncadd.s32 $0xFFFFDF80  }
0x3e: {  	_ =	swait.ge [sflag:s5], $0x2080  }
0x3f: {  	[sflag:s5] =	ssyncset.done $0x0  }
0x40: {  	s0 =	rddreg [dreg:$0x8];
	[sflag:s5] =	ssyncadd.s32 $0xFFFFDF80  }
0x41: {  	[tilespmem:s6], [sflag:$0x1] =	stream.linear.gather [hbm4b:s0+s2], $0x8000, $0x38;
	[tilespmem:$0x10C10] =	vst v63  }
0x42: {  	_ =	swait.ge [sflag:s8], $0x8000  }
0x43: {  	[sflag:s8] =	ssyncset.done $0x0  }
0x44: {  	[sflag:s8] =	ssyncadd.s32 $0xFFFF8000  }
0x45: {  	[spmem:s1] =	stream.indirect.scatter.add.f32 [tilespmem:s2], [sflag:$0x2], $0x41, s21, s7, $0xb8;
	[tilespmem:$0x10C10] =	vst v63  }
0x46: {  	_ = 	snop  }
0x47: {  	[spmem:s1] =	stream.indirect.scatter.add.f32 [tilespmem:s10], [sflag:$0x2], $0x41, s22, s7, $0xb8;
	[tilespmem:$0x10C10] =	vst v63  }
0x48: {  	_ =	swait.ge [sflag:s5], $0x2080  }
0x49: {  	[sflag:s5] =	ssyncset.done $0x0  }
0x4a: {  	[sflag:s5] =	ssyncadd.s32 $0xFFFFDF80  }
0x4b: {  	_ =	swait.ge [sflag:s5], $0x2080  }
0x4c: {  	[sflag:s5] =	ssyncset.done $0x0  }
0x4d: {  	s0 =	rddreg [dreg:$0x9];
	[sflag:s5] =	ssyncadd.s32 $0xFFFFDF80  }
0x4e: {  	[tilespmem:s2], [sflag:$0x1] =	stream.linear.gather [hbm4b:s0+s2], $0x8000, $0x38;
	[tilespmem:$0x10C10] =	vst v63  }
0x4f: {  	_ =	swait.ge [sflag:s8], $0x8000  }
0x50: {  	[sflag:s8] =	ssyncset.done $0x0  }
0x51: {  	[sflag:s8] =	ssyncadd.s32 $0xFFFF8000  }
0x52: {  	[spmem:s1] =	stream.indirect.scatter.add.f32 [tilespmem:s6], [sflag:$0x2], $0x41, s19, s7, $0xb8;
	[tilespmem:$0x10C10] =	vst v63  }
0x53: {  	_ = 	snop  }
0x54: {  	[spmem:s1] =	stream.indirect.scatter.add.f32 [tilespmem:s9], [sflag:$0x2], $0x41, s20, s7, $0xb8;
	[tilespmem:$0x10C10] =	vst v63  }
0x55: {  	_ =	swait.ge [sflag:s5], $0x2080  }
0x56: {  	[sflag:s5] =	ssyncset.done $0x0  }
0x57: {  	[sflag:s5] =	ssyncadd.s32 $0xFFFFDF80  }
0x58: {  	_ =	swait.ge [sflag:s5], $0x2080  }
0x59: {  	[sflag:s5] =	ssyncset.done $0x0  }
0x5a: {  	s0 =	rddreg [dreg:$0xa];
	[sflag:s5] =	ssyncadd.s32 $0xFFFFDF80  }
0x5b: {  	[tilespmem:s6], [sflag:$0x1] =	stream.linear.gather [hbm4b:s0+s2], $0x8000, $0x38;
	[tilespmem:$0x10C10] =	vst v63  }
0x5c: {  	_ =	swait.ge [sflag:s8], $0x8000  }
0x5d: {  	[sflag:s8] =	ssyncset.done $0x0  }
0x5e: {  	[sflag:s8] =	ssyncadd.s32 $0xFFFF8000  }
0x5f: {  	[spmem:s1] =	stream.indirect.scatter.add.f32 [tilespmem:s2], [sflag:$0x2], $0x41, s17, s7, $0xb8;
	[tilespmem:$0x10C10] =	vst v63  }
0x60: {  	_ = 	snop  }
0x61: {  	[spmem:s1] =	stream.indirect.scatter.add.f32 [tilespmem:s10], [sflag:$0x2], $0x41, s18, s7, $0xb8;
	[tilespmem:$0x10C10] =	vst v63  }
0x62: {  	_ =	swait.ge [sflag:s5], $0x2080  }
0x63: {  	[sflag:s5] =	ssyncset.done $0x0  }
0x64: {  	[sflag:s5] =	ssyncadd.s32 $0xFFFFDF80  }
0x65: {  	_ =	swait.ge [sflag:s5], $0x2080  }
0x66: {  	[sflag:s5] =	ssyncset.done $0x0  }
0x67: {  	s0 =	rddreg [dreg:$0xb];
	[sflag:s5] =	ssyncadd.s32 $0xFFFFDF80  }
0x68: {  	[tilespmem:s2], [sflag:$0x1] =	stream.linear.gather [hbm4b:s0+s2], $0x8000, $0x38;
	[tilespmem:$0x10C10] =	vst v63  }
0x69: {  	_ =	swait.ge [sflag:s8], $0x8000  }
0x6a: {  	[sflag:s8] =	ssyncset.done $0x0  }
0x6b: {  	[sflag:s8] =	ssyncadd.s32 $0xFFFF8000  }
0x6c: {  	[spmem:s1] =	stream.indirect.scatter.add.f32 [tilespmem:s6], [sflag:$0x2], $0x41, s15, s7, $0xb8;
	[tilespmem:$0x10C10] =	vst v63  }
0x6d: {  	_ = 	snop  }
0x6e: {  	[spmem:s1] =	stream.indirect.scatter.add.f32 [tilespmem:s9], [sflag:$0x2], $0x41, s16, s7, $0xb8;
	[tilespmem:$0x10C10] =	vst v63  }
0x6f: {  	_ =	swait.ge [sflag:s5], $0x2080  }
0x70: {  	[sflag:s5] =	ssyncset.done $0x0  }
0x71: {  	[sflag:s5] =	ssyncadd.s32 $0xFFFFDF80  }
0x72: {  	_ =	swait.ge [sflag:s5], $0x2080  }
0x73: {  	[sflag:s5] =	ssyncset.done $0x0  }
0x74: {  	s0 =	rddreg [dreg:$0xc];
	[sflag:s5] =	ssyncadd.s32 $0xFFFFDF80  }
0x75: {  	[tilespmem:s6], [sflag:$0x1] =	stream.linear.gather [hbm4b:s0+s2], $0x8000, $0x38;
	[tilespmem:$0x10C10] =	vst v63  }
0x76: {  	_ =	swait.ge [sflag:s8], $0x8000  }
0x77: {  	[sflag:s8] =	ssyncset.done $0x0  }
0x78: {  	[sflag:s8] =	ssyncadd.s32 $0xFFFF8000  }
0x79: {  	[spmem:s1] =	stream.indirect.scatter.add.f32 [tilespmem:s2], [sflag:$0x2], $0x41, s13, s7, $0xb8;
	[tilespmem:$0x10C10] =	vst v63  }
0x7a: {  	_ = 	snop  }
0x7b: {  	[spmem:s1] =	stream.indirect.scatter.add.f32 [tilespmem:s10], [sflag:$0x2], $0x41, s14, s7, $0xb8;
	[tilespmem:$0x10C10] =	vst v63  }
0x7c: {  	_ =	swait.ge [sflag:s5], $0x2080  }
0x7d: {  	[sflag:s5] =	ssyncset.done $0x0  }
0x7e: {  	[sflag:s5] =	ssyncadd.s32 $0xFFFFDF80  }
0x7f: {  	_ =	swait.ge [sflag:s5], $0x2080  }
0x80: {  	[sflag:s5] =	ssyncset.done $0x0  }
0x81: {  	[sflag:s5] =	ssyncadd.s32 $0xFFFFDF80  }
0x82: {  	_ =	swait.ge [sflag:s8], $0x8000  }
0x83: {  	[sflag:s8] =	ssyncset.done $0x0  }
0x84: {  	[sflag:s8] =	ssyncadd.s32 $0xFFFF8000  }
0x85: {  	[spmem:s1] =	stream.indirect.scatter.add.f32 [tilespmem:s6], [sflag:$0x2], $0x41, s11, s7, $0xb8;
	[tilespmem:$0x10C10] =	vst v63  }
0x86: {  	_ = 	snop  }
0x87: {  	[spmem:s1] =	stream.indirect.scatter.add.f32 [tilespmem:s9], [sflag:$0x2], $0x41, s12, s7, $0xb8;
	[tilespmem:$0x10C10] =	vst v63  }
0x88: {  	_ =	swait.ge [sflag:s5], $0x2080  }
0x89: {  	[sflag:s5] =	ssyncset.done $0x0  }
0x8a: {  	[sflag:s5] =	ssyncadd.s32 $0xFFFFDF80  }
0x8b: {  	s31 =	sadd.s32 $0xFFFFFFFF, s31;
	_ =	swait.ge [sflag:s5], $0x2080  }
0x8c: {  	p2 =	sne.s32 s31, $0x0;
	[sflag:s5] =	ssyncset.done $0x0  }
.Ltmp1:
0x8d: {  	[sflag:s5] =	ssyncadd.s32 $0xFFFFDF80;
	(pc) =	sbr.rel @!p2 .LBB2_4-.Ltmp1, $4  }
0x8e: {  	[bflag:$0x0] =	sbarrier.arrive $0xFFFF  }
0x8f: {  	[hbm:s3], [sflag:s30] =	dma.local @!p0 [spmem:s4], $0x1000  }
0x90: {  	_ =	swait.ge @!p0 [sflag:s29], $0x1000  }
0x91: {  	p1 =	por $0x1, $0x1;
	s0 =	rddreg [dreg:$0x3];
	[sflag:s29] =	ssyncset.done @!p0 $0x0  }
.LBB2_3:
0x92: {  	[sflag:s29] =	ssyncadd.s32 @!p0 $0xFFFFF000  }
0x93: {  	[spmem:s4], [sflag:s30] =	dma.local @!p0 [hbm:s0], $0x1000  }
0x94: {  	_ =	swait.ge @!p0 [sflag:s29], $0x1000  }
0x95: {  	[sflag:s29] =	ssyncset.done @!p0 $0x0  }
0x96: {  	s0 =	rddreg [dreg:$0x4];
	[sflag:s29] =	ssyncadd.s32 @!p0 $0xFFFFF000  }
0x97: {  	[tilespmem:s25], [sflag:$0x3] =	stream.linear.gather [hbm4b:s0+s2], $0x800, $0x38;
	[tilespmem:$0x10C10] =	vst v63  }
0x98: {  	_ =	swait.ge [sflag:s26], $0x800  }
0x99: {  	[sflag:s26] =	ssyncset.done $0x0  }
0x9a: {  	[sflag:s26] =	ssyncadd.s32 $0xFFFFF800  }
0x9b: {  	[bflag:$0x0] =	sbarrier.arrive $0xFFFF  }
0x9c: {  	s0 =	rddreg [dreg:$0x5]  }
0x9d: {  	[tilespmem:s2], [sflag:$0x3] =	stream.linear.gather [hbm4b:s0+s2], $0x8000, $0x38;
	[tilespmem:$0x10C10] =	vst v63  }
0x9e: {  	_ =	swait.ge [sflag:s26], $0x8000  }
0x9f: {  	[sflag:s26] =	ssyncset.done $0x0  }
0xa0: {  	s0 =	rddreg [dreg:$0x6];
	[sflag:s26] =	ssyncadd.s32 $0xFFFF8000  }
0xa1: {  	[tilespmem:s6], [sflag:$0x1] =	stream.linear.gather [hbm4b:s0+s2], $0x8000, $0x38;
	[tilespmem:$0x10C10] =	vst v63  }
0xa2: {  	_ = 	snop  }
0xa3: {  	[spmem:s1] =	stream.indirect.scatter.add.f32 [tilespmem:s2], [sflag:$0x2], $0x41, s25, s7, $0xb8;
	[tilespmem:$0x10C10] =	vst v63  }
0xa4: {  	_ = 	snop  }
0xa5: {  	[spmem:s1] =	stream.indirect.scatter.add.f32 [tilespmem:s10], [sflag:$0x2], $0x41, s28, s7, $0xb8;
	[tilespmem:$0x10C10] =	vst v63  }
0xa6: {  	_ =	swait.ge [sflag:s5], $0x2080  }
0xa7: {  	[sflag:s5] =	ssyncset.done $0x0  }
0xa8: {  	[sflag:s5] =	ssyncadd.s32 $0xFFFFDF80  }
0xa9: {  	_ =	swait.ge [sflag:s5], $0x2080  }
0xaa: {  	[sflag:s5] =	ssyncset.done $0x0  }
0xab: {  	s0 =	rddreg [dreg:$0x7];
	[sflag:s5] =	ssyncadd.s32 $0xFFFFDF80  }
0xac: {  	[tilespmem:s2], [sflag:$0x1] =	stream.linear.gather [hbm4b:s0+s2], $0x8000, $0x38;
	[tilespmem:$0x10C10] =	vst v63  }
0xad: {  	_ =	swait.ge [sflag:s8], $0x8000  }
0xae: {  	[sflag:s8] =	ssyncset.done $0x0  }
0xaf: {  	[sflag:s8] =	ssyncadd.s32 $0xFFFF8000  }
0xb0: {  	[spmem:s1] =	stream.indirect.scatter.add.f32 [tilespmem:s6], [sflag:$0x2], $0x41, s23, s7, $0xb8;
	[tilespmem:$0x10C10] =	vst v63  }
0xb1: {  	_ = 	snop  }
0xb2: {  	[spmem:s1] =	stream.indirect.scatter.add.f32 [tilespmem:s9], [sflag:$0x2], $0x41, s24, s7, $0xb8;
	[tilespmem:$0x10C10] =	vst v63  }
0xb3: {  	_ =	swait.ge [sflag:s5], $0x2080  }
0xb4: {  	[sflag:s5] =	ssyncset.done $0x0  }
0xb5: {  	[sflag:s5] =	ssyncadd.s32 $0xFFFFDF80  }
0xb6: {  	_ =	swait.ge [sflag:s5], $0x2080  }
0xb7: {  	[sflag:s5] =	ssyncset.done $0x0  }
0xb8: {  	s0 =	rddreg [dreg:$0x8];
	[sflag:s5] =	ssyncadd.s32 $0xFFFFDF80  }
0xb9: {  	[tilespmem:s6], [sflag:$0x1] =	stream.linear.gather [hbm4b:s0+s2], $0x8000, $0x38;
	[tilespmem:$0x10C10] =	vst v63  }
0xba: {  	_ =	swait.ge [sflag:s8], $0x8000  }
0xbb: {  	[sflag:s8] =	ssyncset.done $0x0  }
0xbc: {  	[sflag:s8] =	ssyncadd.s32 $0xFFFF8000  }
0xbd: {  	[spmem:s1] =	stream.indirect.scatter.add.f32 [tilespmem:s2], [sflag:$0x2], $0x41, s21, s7, $0xb8;
	[tilespmem:$0x10C10] =	vst v63  }
0xbe: {  	_ = 	snop  }
0xbf: {  	[spmem:s1] =	stream.indirect.scatter.add.f32 [tilespmem:s10], [sflag:$0x2], $0x41, s22, s7, $0xb8;
	[tilespmem:$0x10C10] =	vst v63  }
0xc0: {  	_ =	swait.ge [sflag:s5], $0x2080  }
0xc1: {  	[sflag:s5] =	ssyncset.done $0x0  }
0xc2: {  	[sflag:s5] =	ssyncadd.s32 $0xFFFFDF80  }
0xc3: {  	_ =	swait.ge [sflag:s5], $0x2080  }
0xc4: {  	[sflag:s5] =	ssyncset.done $0x0  }
0xc5: {  	s0 =	rddreg [dreg:$0x9];
	[sflag:s5] =	ssyncadd.s32 $0xFFFFDF80  }
0xc6: {  	[tilespmem:s2], [sflag:$0x1] =	stream.linear.gather [hbm4b:s0+s2], $0x8000, $0x38;
	[tilespmem:$0x10C10] =	vst v63  }
0xc7: {  	_ =	swait.ge [sflag:s8], $0x8000  }
0xc8: {  	[sflag:s8] =	ssyncset.done $0x0  }
0xc9: {  	[sflag:s8] =	ssyncadd.s32 $0xFFFF8000  }
0xca: {  	[spmem:s1] =	stream.indirect.scatter.add.f32 [tilespmem:s6], [sflag:$0x2], $0x41, s19, s7, $0xb8;
	[tilespmem:$0x10C10] =	vst v63  }
0xcb: {  	_ = 	snop  }
0xcc: {  	[spmem:s1] =	stream.indirect.scatter.add.f32 [tilespmem:s9], [sflag:$0x2], $0x41, s20, s7, $0xb8;
	[tilespmem:$0x10C10] =	vst v63  }
0xcd: {  	_ =	swait.ge [sflag:s5], $0x2080  }
0xce: {  	[sflag:s5] =	ssyncset.done $0x0  }
0xcf: {  	[sflag:s5] =	ssyncadd.s32 $0xFFFFDF80  }
0xd0: {  	_ =	swait.ge [sflag:s5], $0x2080  }
0xd1: {  	[sflag:s5] =	ssyncset.done $0x0  }
0xd2: {  	s0 =	rddreg [dreg:$0xa];
	[sflag:s5] =	ssyncadd.s32 $0xFFFFDF80  }
0xd3: {  	[tilespmem:s6], [sflag:$0x1] =	stream.linear.gather [hbm4b:s0+s2], $0x8000, $0x38;
	[tilespmem:$0x10C10] =	vst v63  }
0xd4: {  	_ =	swait.ge [sflag:s8], $0x8000  }
0xd5: {  	[sflag:s8] =	ssyncset.done $0x0  }
0xd6: {  	[sflag:s8] =	ssyncadd.s32 $0xFFFF8000  }
0xd7: {  	[spmem:s1] =	stream.indirect.scatter.add.f32 [tilespmem:s2], [sflag:$0x2], $0x41, s17, s7, $0xb8;
	[tilespmem:$0x10C10] =	vst v63  }
0xd8: {  	_ = 	snop  }
0xd9: {  	[spmem:s1] =	stream.indirect.scatter.add.f32 [tilespmem:s10], [sflag:$0x2], $0x41, s18, s7, $0xb8;
	[tilespmem:$0x10C10] =	vst v63  }
0xda: {  	_ =	swait.ge [sflag:s5], $0x2080  }
0xdb: {  	[sflag:s5] =	ssyncset.done $0x0  }
0xdc: {  	[sflag:s5] =	ssyncadd.s32 $0xFFFFDF80  }
0xdd: {  	_ =	swait.ge [sflag:s5], $0x2080  }
0xde: {  	[sflag:s5] =	ssyncset.done $0x0  }
0xdf: {  	s0 =	rddreg [dreg:$0xb];
	[sflag:s5] =	ssyncadd.s32 $0xFFFFDF80  }
0xe0: {  	[tilespmem:s2], [sflag:$0x1] =	stream.linear.gather [hbm4b:s0+s2], $0x8000, $0x38;
	[tilespmem:$0x10C10] =	vst v63  }
0xe1: {  	_ =	swait.ge [sflag:s8], $0x8000  }
0xe2: {  	[sflag:s8] =	ssyncset.done $0x0  }
0xe3: {  	[sflag:s8] =	ssyncadd.s32 $0xFFFF8000  }
0xe4: {  	[spmem:s1] =	stream.indirect.scatter.add.f32 [tilespmem:s6], [sflag:$0x2], $0x41, s15, s7, $0xb8;
	[tilespmem:$0x10C10] =	vst v63  }
0xe5: {  	_ = 	snop  }
0xe6: {  	[spmem:s1] =	stream.indirect.scatter.add.f32 [tilespmem:s9], [sflag:$0x2], $0x41, s16, s7, $0xb8;
	[tilespmem:$0x10C10] =	vst v63  }
0xe7: {  	_ =	swait.ge [sflag:s5], $0x2080  }
0xe8: {  	[sflag:s5] =	ssyncset.done $0x0  }
0xe9: {  	[sflag:s5] =	ssyncadd.s32 $0xFFFFDF80  }
0xea: {  	_ =	swait.ge [sflag:s5], $0x2080  }
0xeb: {  	[sflag:s5] =	ssyncset.done $0x0  }
0xec: {  	s0 =	rddreg [dreg:$0xc];
	[sflag:s5] =	ssyncadd.s32 $0xFFFFDF80  }
0xed: {  	[tilespmem:s6], [sflag:$0x1] =	stream.linear.gather [hbm4b:s0+s2], $0x8000, $0x38;
	[tilespmem:$0x10C10] =	vst v63  }
0xee: {  	_ =	swait.ge [sflag:s8], $0x8000  }
0xef: {  	[sflag:s8] =	ssyncset.done $0x0  }
0xf0: {  	[sflag:s8] =	ssyncadd.s32 $0xFFFF8000  }
0xf1: {  	[spmem:s1] =	stream.indirect.scatter.add.f32 [tilespmem:s2], [sflag:$0x2], $0x41, s13, s7, $0xb8;
	[tilespmem:$0x10C10] =	vst v63  }
0xf2: {  	_ = 	snop  }
0xf3: {  	[spmem:s1] =	stream.indirect.scatter.add.f32 [tilespmem:s10], [sflag:$0x2], $0x41, s14, s7, $0xb8;
	[tilespmem:$0x10C10] =	vst v63  }
0xf4: {  	_ =	swait.ge [sflag:s5], $0x2080  }
0xf5: {  	[sflag:s5] =	ssyncset.done $0x0  }
0xf6: {  	[sflag:s5] =	ssyncadd.s32 $0xFFFFDF80  }
0xf7: {  	_ =	swait.ge [sflag:s5], $0x2080  }
0xf8: {  	[sflag:s5] =	ssyncset.done $0x0  }
0xf9: {  	[sflag:s5] =	ssyncadd.s32 $0xFFFFDF80  }
0xfa: {  	_ =	swait.ge [sflag:s8], $0x8000  }
0xfb: {  	[sflag:s8] =	ssyncset.done $0x0  }
0xfc: {  	[sflag:s8] =	ssyncadd.s32 $0xFFFF8000  }
0xfd: {  	[spmem:s1] =	stream.indirect.scatter.add.f32 [tilespmem:s6], [sflag:$0x2], $0x41, s11, s7, $0xb8;
	[tilespmem:$0x10C10] =	vst v63  }
0xfe: {  	_ = 	snop  }
0xff: {  	[spmem:s1] =	stream.indirect.scatter.add.f32 [tilespmem:s9], [sflag:$0x2], $0x41, s12, s7, $0xb8;
	[tilespmem:$0x10C10] =	vst v63  }
0x100: {  	_ =	swait.ge [sflag:s5], $0x2080  }
0x101: {  	[sflag:s5] =	ssyncset.done $0x0  }
0x102: {  	[sflag:s5] =	ssyncadd.s32 $0xFFFFDF80  }
0x103: {  	s31 =	sadd.s32 $0xFFFFFFFF, s31;
	_ =	swait.ge [sflag:s5], $0x2080  }
0x104: {  	p2 =	sne.s32 s31, $0x0;
	[sflag:s5] =	ssyncset.done $0x0  }
.Ltmp2:
0x105: {  	[sflag:s5] =	ssyncadd.s32 $0xFFFFDF80;
	(pc) =	sbr.rel @p2 .LBB2_3-.Ltmp2, $4  }
0x106: {  	[bflag:$0x0] =	sbarrier.arrive $0xFFFF  }
0x107: {  	[hbm:s3], [sflag:s30] =	dma.local @!p0 [spmem:s4], $0x1000  }
0x108: {  	_ =	swait.ge @!p0 [sflag:s29], $0x1000  }
0x109: {  	s0 =	rddreg [dreg:$0x3];
	[sflag:s29] =	ssyncset.done @!p0 $0x0  }
.LBB2_4:
0x10a: {  	p1 =	por p0, !p1  }
0x10b: {  	s30 =	simm.s32 @!p0 $0x1C03;
	[sflag:s29] =	ssyncadd.s32 @!p1 $0xFFFFF000;
	s29 =	simm.s32 @!p0 $0x3  }
0x10c: {  	[spmem:s4], [sflag:s30] =	dma.local @!p0 [hbm:s0], $0x1000  }
0x10d: {  	_ =	swait.ge @!p0 [sflag:s29], $0x1000  }
0x10e: {  	[sflag:s29] =	ssyncset.done @!p0 $0x0  }
0x10f: {  	s31 =	rddreg [dreg:$0x4];
	[sflag:s29] =	ssyncadd.s32 @!p0 $0xFFFFF000  }
0x110: {  	[tilespmem:s25], [sflag:$0x3] =	stream.linear.gather [hbm4b:s31+s2], $0x800, $0x38;
	[tilespmem:$0x10C10] =	vst v63  }
0x111: {  	_ =	swait.ge [sflag:s26], $0x800  }
0x112: {  	[sflag:s26] =	ssyncset.done $0x0  }
0x113: {  	[sflag:s26] =	ssyncadd.s32 $0xFFFFF800  }
0x114: {  	[bflag:$0x0] =	sbarrier.arrive $0xFFFF  }
0x115: {  	s31 =	rddreg [dreg:$0x5]  }
0x116: {  	[tilespmem:s2], [sflag:$0x3] =	stream.linear.gather [hbm4b:s31+s2], $0x8000, $0x38;
	[tilespmem:$0x10C10] =	vst v63  }
0x117: {  	_ =	swait.ge [sflag:s26], $0x8000  }
0x118: {  	[sflag:s26] =	ssyncset.done $0x0  }
0x119: {  	s31 =	rddreg [dreg:$0x6];
	[sflag:s26] =	ssyncadd.s32 $0xFFFF8000  }
0x11a: {  	[tilespmem:s6], [sflag:$0x1] =	stream.linear.gather [hbm4b:s31+s2], $0x8000, $0x38;
	[tilespmem:$0x10C10] =	vst v63  }
0x11b: {  	_ = 	snop  }
0x11c: {  	[spmem:s1] =	stream.indirect.scatter.add.f32 [tilespmem:s2], [sflag:$0x2], $0x41, s25, s7, $0xb8;
	[tilespmem:$0x10C10] =	vst v63  }
0x11d: {  	_ = 	snop  }
0x11e: {  	[spmem:s1] =	stream.indirect.scatter.add.f32 [tilespmem:s10], [sflag:$0x2], $0x41, s28, s7, $0xb8;
	[tilespmem:$0x10C10] =	vst v63  }
0x11f: {  	_ =	swait.ge [sflag:s5], $0x2080  }
0x120: {  	[sflag:s5] =	ssyncset.done $0x0  }
0x121: {  	[sflag:s5] =	ssyncadd.s32 $0xFFFFDF80  }
0x122: {  	_ =	swait.ge [sflag:s5], $0x2080  }
0x123: {  	[sflag:s5] =	ssyncset.done $0x0  }
0x124: {  	s31 =	rddreg [dreg:$0x7];
	[sflag:s5] =	ssyncadd.s32 $0xFFFFDF80  }
0x125: {  	[tilespmem:s2], [sflag:$0x1] =	stream.linear.gather [hbm4b:s31+s2], $0x8000, $0x38;
	[tilespmem:$0x10C10] =	vst v63  }
0x126: {  	_ =	swait.ge [sflag:s8], $0x8000  }
0x127: {  	[sflag:s8] =	ssyncset.done $0x0  }
0x128: {  	[sflag:s8] =	ssyncadd.s32 $0xFFFF8000  }
0x129: {  	[spmem:s1] =	stream.indirect.scatter.add.f32 [tilespmem:s6], [sflag:$0x2], $0x41, s23, s7, $0xb8;
	[tilespmem:$0x10C10] =	vst v63  }
0x12a: {  	_ = 	snop  }
0x12b: {  	[spmem:s1] =	stream.indirect.scatter.add.f32 [tilespmem:s9], [sflag:$0x2], $0x41, s24, s7, $0xb8;
	[tilespmem:$0x10C10] =	vst v63  }
0x12c: {  	_ =	swait.ge [sflag:s5], $0x2080  }
0x12d: {  	[sflag:s5] =	ssyncset.done $0x0  }
0x12e: {  	[sflag:s5] =	ssyncadd.s32 $0xFFFFDF80  }
0x12f: {  	_ =	swait.ge [sflag:s5], $0x2080  }
0x130: {  	[sflag:s5] =	ssyncset.done $0x0  }
0x131: {  	s24 =	rddreg [dreg:$0x8];
	[sflag:s5] =	ssyncadd.s32 $0xFFFFDF80  }
0x132: {  	[tilespmem:s6], [sflag:$0x1] =	stream.linear.gather [hbm4b:s24+s2], $0x8000, $0x38;
	[tilespmem:$0x10C10] =	vst v63  }
0x133: {  	_ =	swait.ge [sflag:s8], $0x8000  }
0x134: {  	[sflag:s8] =	ssyncset.done $0x0  }
0x135: {  	[sflag:s8] =	ssyncadd.s32 $0xFFFF8000  }
0x136: {  	[spmem:s1] =	stream.indirect.scatter.add.f32 [tilespmem:s2], [sflag:$0x2], $0x41, s21, s7, $0xb8;
	[tilespmem:$0x10C10] =	vst v63  }
0x137: {  	_ = 	snop  }
0x138: {  	[spmem:s1] =	stream.indirect.scatter.add.f32 [tilespmem:s10], [sflag:$0x2], $0x41, s22, s7, $0xb8;
	[tilespmem:$0x10C10] =	vst v63  }
0x139: {  	_ =	swait.ge [sflag:s5], $0x2080  }
0x13a: {  	[sflag:s5] =	ssyncset.done $0x0  }
0x13b: {  	[sflag:s5] =	ssyncadd.s32 $0xFFFFDF80  }
0x13c: {  	_ =	swait.ge [sflag:s5], $0x2080  }
0x13d: {  	[sflag:s5] =	ssyncset.done $0x0  }
0x13e: {  	s25 =	rddreg [dreg:$0x9];
	[sflag:s5] =	ssyncadd.s32 $0xFFFFDF80  }
0x13f: {  	[tilespmem:s2], [sflag:$0x1] =	stream.linear.gather [hbm4b:s25+s2], $0x8000, $0x38;
	[tilespmem:$0x10C10] =	vst v63  }
0x140: {  	_ =	swait.ge [sflag:s8], $0x8000  }
0x141: {  	[sflag:s8] =	ssyncset.done $0x0  }
0x142: {  	[sflag:s8] =	ssyncadd.s32 $0xFFFF8000  }
0x143: {  	[spmem:s1] =	stream.indirect.scatter.add.f32 [tilespmem:s6], [sflag:$0x2], $0x41, s19, s7, $0xb8;
	[tilespmem:$0x10C10] =	vst v63  }
0x144: {  	_ = 	snop  }
0x145: {  	[spmem:s1] =	stream.indirect.scatter.add.f32 [tilespmem:s9], [sflag:$0x2], $0x41, s20, s7, $0xb8;
	[tilespmem:$0x10C10] =	vst v63  }
0x146: {  	_ =	swait.ge [sflag:s5], $0x2080  }
0x147: {  	[sflag:s5] =	ssyncset.done $0x0  }
0x148: {  	[sflag:s5] =	ssyncadd.s32 $0xFFFFDF80  }
0x149: {  	_ =	swait.ge [sflag:s5], $0x2080  }
0x14a: {  	[sflag:s5] =	ssyncset.done $0x0  }
0x14b: {  	s26 =	rddreg [dreg:$0xa];
	[sflag:s5] =	ssyncadd.s32 $0xFFFFDF80  }
0x14c: {  	[tilespmem:s6], [sflag:$0x1] =	stream.linear.gather [hbm4b:s26+s2], $0x8000, $0x38;
	[tilespmem:$0x10C10] =	vst v63  }
0x14d: {  	_ =	swait.ge [sflag:s8], $0x8000  }
0x14e: {  	[sflag:s8] =	ssyncset.done $0x0  }
0x14f: {  	[sflag:s8] =	ssyncadd.s32 $0xFFFF8000  }
0x150: {  	[spmem:s1] =	stream.indirect.scatter.add.f32 [tilespmem:s2], [sflag:$0x2], $0x41, s17, s7, $0xb8;
	[tilespmem:$0x10C10] =	vst v63  }
0x151: {  	_ = 	snop  }
0x152: {  	[spmem:s1] =	stream.indirect.scatter.add.f32 [tilespmem:s10], [sflag:$0x2], $0x41, s18, s7, $0xb8;
	[tilespmem:$0x10C10] =	vst v63  }
0x153: {  	_ =	swait.ge [sflag:s5], $0x2080  }
0x154: {  	[sflag:s5] =	ssyncset.done $0x0  }
0x155: {  	[sflag:s5] =	ssyncadd.s32 $0xFFFFDF80  }
0x156: {  	_ =	swait.ge [sflag:s5], $0x2080  }
0x157: {  	[sflag:s5] =	ssyncset.done $0x0  }
0x158: {  	s28 =	rddreg [dreg:$0xb];
	[sflag:s5] =	ssyncadd.s32 $0xFFFFDF80  }
0x159: {  	[tilespmem:s2], [sflag:$0x1] =	stream.linear.gather [hbm4b:s28+s2], $0x8000, $0x38;
	[tilespmem:$0x10C10] =	vst v63  }
0x15a: {  	_ =	swait.ge [sflag:s8], $0x8000  }
0x15b: {  	[sflag:s8] =	ssyncset.done $0x0  }
0x15c: {  	[sflag:s8] =	ssyncadd.s32 $0xFFFF8000  }
0x15d: {  	[spmem:s1] =	stream.indirect.scatter.add.f32 [tilespmem:s6], [sflag:$0x2], $0x41, s15, s7, $0xb8;
	[tilespmem:$0x10C10] =	vst v63  }
0x15e: {  	_ = 	snop  }
0x15f: {  	[spmem:s1] =	stream.indirect.scatter.add.f32 [tilespmem:s9], [sflag:$0x2], $0x41, s16, s7, $0xb8;
	[tilespmem:$0x10C10] =	vst v63  }
0x160: {  	_ =	swait.ge [sflag:s5], $0x2080  }
0x161: {  	[sflag:s5] =	ssyncset.done $0x0  }
0x162: {  	[sflag:s5] =	ssyncadd.s32 $0xFFFFDF80  }
0x163: {  	_ =	swait.ge [sflag:s5], $0x2080  }
0x164: {  	[sflag:s5] =	ssyncset.done $0x0  }
0x165: {  	s31 =	rddreg [dreg:$0xc];
	[sflag:s5] =	ssyncadd.s32 $0xFFFFDF80  }
0x166: {  	[tilespmem:s6], [sflag:$0x1] =	stream.linear.gather [hbm4b:s31+s2], $0x8000, $0x38;
	[tilespmem:$0x10C10] =	vst v63  }
0x167: {  	_ =	swait.ge [sflag:s8], $0x8000  }
0x168: {  	[sflag:s8] =	ssyncset.done $0x0  }
0x169: {  	[sflag:s8] =	ssyncadd.s32 $0xFFFF8000  }
0x16a: {  	[spmem:s1] =	stream.indirect.scatter.add.f32 [tilespmem:s2], [sflag:$0x2], $0x41, s13, s7, $0xb8;
	[tilespmem:$0x10C10] =	vst v63  }
0x16b: {  	_ = 	snop  }
0x16c: {  	[spmem:s1] =	stream.indirect.scatter.add.f32 [tilespmem:s10], [sflag:$0x2], $0x41, s14, s7, $0xb8;
	[tilespmem:$0x10C10] =	vst v63  }
0x16d: {  	_ =	swait.ge [sflag:s5], $0x2080  }
0x16e: {  	[sflag:s5] =	ssyncset.done $0x0  }
0x16f: {  	[sflag:s5] =	ssyncadd.s32 $0xFFFFDF80  }
0x170: {  	_ =	swait.ge [sflag:s5], $0x2080  }
0x171: {  	[sflag:s5] =	ssyncset.done $0x0  }
0x172: {  	[sflag:s5] =	ssyncadd.s32 $0xFFFFDF80  }
0x173: {  	_ =	swait.ge [sflag:s8], $0x8000  }
0x174: {  	[sflag:s8] =	ssyncset.done $0x0  }
0x175: {  	[sflag:s8] =	ssyncadd.s32 $0xFFFF8000  }
0x176: {  	[spmem:s1] =	stream.indirect.scatter.add.f32 [tilespmem:s6], [sflag:$0x2], $0x41, s11, s7, $0xb8;
	[tilespmem:$0x10C10] =	vst v63  }
0x177: {  	_ = 	snop  }
0x178: {  	[spmem:s1] =	stream.indirect.scatter.add.f32 [tilespmem:s9], [sflag:$0x2], $0x41, s12, s7, $0xb8;
	[tilespmem:$0x10C10] =	vst v63  }
0x179: {  	_ =	swait.ge [sflag:s5], $0x2080  }
0x17a: {  	[sflag:s5] =	ssyncset.done $0x0  }
0x17b: {  	[sflag:s5] =	ssyncadd.s32 $0xFFFFDF80  }
0x17c: {  	_ =	swait.ge [sflag:s5], $0x2080  }
0x17d: {  	[sflag:s5] =	ssyncset.done $0x0  }
0x17e: {  	[sflag:s5] =	ssyncadd.s32 $0xFFFFDF80  }
0x17f: {  	[bflag:$0x0] =	sbarrier.arrive $0xFFFF  }
0x180: {  	[hbm:s3], [sflag:s30] =	dma.local @!p0 [spmem:s4], $0x1000  }
0x181: {  	_ =	swait.ge @!p0 [sflag:s29], $0x1000  }
0x182: {  	[sflag:s29] =	ssyncset.done @!p0 $0x0  }
0x183: {  	[sflag:s29] =	ssyncadd.s32 @!p0 $0xFFFFF000  }
0x184: {  	_ =	sfence.sel $0x180000  }
0x185: {  	[bflag:$0x0] =	sbarrier.arrive $0xFFFF  }
0x186: {  	_ =	strace $0x90000047  }
0x187: {  	[bflag:$0x2] =	sbarrier.arrive $0xFFFF  }
0x188: {  	s0 =	rddreg [dreg:$0x2]  }
0x189: {  	s0 =	sadd.s32 @!p0 $0x100000, s0  }
0x18a: {  	[sflag:s0] =	ssyncadd.tile.s32 @!p0 $0x1;
	_ =	shalt  }
.LBB2_1:
.Ltmp3:
0x18b: {  	(pc) =	sbr.rel .LBB2_4-.Ltmp3, $2  }
0x18c: {  	_ =	sdelay $0x2  }
0x18d: {  	_ = 	snop  }
.Lfunc_end2:
_tile_overlayer_lowered:
.L_overlay_start_2:
0x18e: {  	(tag) =	ssettag $0x2  }
0x18f: {  	s0 =	rddreg [dreg:$0x0];
	s2 =	stileid.u32  }
0x190: {  	s1 =	rddreg [dreg:$0x1];
	p0 =	sne.s32 s2, $0x0  }
0x191: {  	s3 =	rddreg [dreg:$0x2];
	[bflag:$0x3] =	sbarrier.arrive $0xFFFF;
	s2 =	simm.s32 @!p0 $0x1C03  }
0x192: {  	[timem:s3], [sflag:s2] =	dma.local @!p0 [hbm:s0], s1  }
0x193: {  	s0 =	simm.s32 @!p0 $0x3  }
0x194: {  	_ =	swait.ge @!p0 [sflag:s0], s1  }
0x195: {  	s1 =	ssub.s32 @!p0 $0x0, s1;
	[sflag:s0] =	ssyncset.done @!p0 $0x0  }
0x196: {  	[sflag:s0] =	ssyncadd.s32 @!p0 s1  }
0x197: {  	[bflag:$0x3] =	sbarrier.arrive $0xFFFF  }
0x198: {  	_ =	shalt  }

</sc_bundles>
